<compile_context>
chip_gen: v7x
topology: tpu7x:2x2x1
jax: 0.10.2.dev20260603
libtpu: 0.0.44.dev20260713+nightly
codegen_flags: <defaults>
</compile_context>

<pallas_src>
import jax
import jax.numpy as jnp
from jax import lax
from jax.experimental import pallas as pl
from jax.experimental.pallas import tpu as pltpu
from jax.experimental.pallas import tpu_sc as plsc

DIM = 2048
IMG = 784
LEVELS = 256
NUM_CLASSES = 10
BATCH = 128
NSC = 16
ITEMS = 8
SC_CORES = 2
SC_SUBCORES = 16
NW = SC_CORES * SC_SUBCORES
COLS = DIM // NW
CHUNK = 16
IB = 4
LANES = 16



def _hdc_body(x_ref, pos_ref, vt_ref, am_ref, out_ref, enc_ref):
    xb = x_ref[0]
    idx = jnp.clip(jnp.round(xb * (LEVELS - 1)), 0.0, LEVELS - 1.0).astype(jnp.int32)
    lvl = jax.lax.broadcasted_iota(jnp.int32, (LEVELS, IMG), 0)
    pos = pos_ref[...]
    vt = vt_ref[...]
    for j in range(ITEMS):
        onehot = (lvl == idx[j:j + 1, :]).astype(jnp.bfloat16)
        h = jax.lax.dot_general(
            onehot, pos, (((1,), (0,)), ((), ())),
            preferred_element_type=jnp.float32)
        enc_ref[j:j + 1, :] = jnp.sum(h * vt, axis=0, keepdims=True)
    enc = enc_ref[...]
    am = am_ref[...]
    dots = jax.lax.dot_general(
        enc, am, (((1,), (1,)), ((), ())), preferred_element_type=jnp.float32)
    ne = jnp.sqrt(jnp.sum(enc * enc, axis=1, keepdims=True)) + 1e-12
    na = jnp.sqrt(jnp.sum(am * am, axis=1)).reshape(1, NUM_CLASSES) + 1e-12
    out_ref[0] = dots / ne / na


def _tc_classify(flat, position, value_table, am, nb):
    pos_bf = position.astype(jnp.bfloat16)
    out = pl.pallas_call(
        _hdc_body,
        grid=(nb // ITEMS,),
        in_specs=[
            pl.BlockSpec((1, ITEMS, IMG), lambda i: (i, 0, 0)),
            pl.BlockSpec((IMG, DIM), lambda i: (0, 0)),
            pl.BlockSpec((LEVELS, DIM), lambda i: (0, 0)),
            pl.BlockSpec((NUM_CLASSES, DIM), lambda i: (0, 0)),
        ],
        out_specs=pl.BlockSpec((1, ITEMS, NUM_CLASSES), lambda i: (i, 0, 0)),
        out_shape=jax.ShapeDtypeStruct((nb // ITEMS, ITEMS, NUM_CLASSES), jnp.float32),
        scratch_shapes=[pltpu.VMEM((ITEMS, DIM), jnp.float32)],
    )(flat.reshape(nb // ITEMS, ITEMS, IMG), pos_bf, value_table, am)
    return out.reshape(nb, NUM_CLASSES)



def _idx_body(x_ref, idx_ref):
    idx_ref[...] = jnp.clip(
        jnp.round(x_ref[...] * (LEVELS - 1)), 0.0, LEVELS - 1.0).astype(jnp.int32)


def _enc_body(nb, x_hbm, pos_hbm, vt_hbm, out_hbm, x_v, pos_v, vt_v, enc_v):
    c = lax.axis_index("c")
    s = lax.axis_index("s")
    wid = s * SC_CORES + c
    col0 = wid * COLS
    pltpu.sync_copy(pos_hbm.at[:, pl.ds(col0, COLS)], pos_v)
    pltpu.sync_copy(vt_hbm.at[:, pl.ds(col0, COLS)], vt_v)

    def chunk_body(ci, carry):
        pltpu.sync_copy(x_hbm.at[pl.ds(ci * CHUNK, CHUNK), :], x_v)

        def item_body(b, carry2):
            nvec = COLS // LANES

            def grp_body(g, accs):
                y = x_v[b, pl.ds(g * LANES, LANES)] * float(LEVELS - 1)
                y = jnp.minimum(jnp.maximum(y, 0.0), float(LEVELS - 1))
                idxvec = ((y + 8388608.0) - 8388608.0).astype(jnp.int32)
                for k in range(LANES):
                    t = idxvec[k]
                    p = g * LANES + k
                    accs = tuple(
                        accs[j] + vt_v[t, pl.ds(LANES * j, LANES)] *
                        pos_v[p, pl.ds(LANES * j, LANES)]
                        for j in range(nvec))
                return accs

            accs = lax.fori_loop(
                0, IMG // LANES, grp_body,
                tuple(jnp.zeros((LANES,), jnp.float32)
                      for _ in range(nvec)))
            for j in range(nvec):
                enc_v[b, pl.ds(LANES * j, LANES)] = accs[j]
            return carry2

        lax.fori_loop(0, CHUNK, item_body, 0)
        pltpu.sync_copy(
            enc_v, out_hbm.at[pl.ds(ci * CHUNK, CHUNK), pl.ds(col0, COLS)])
        return carry

    lax.fori_loop(0, nb // CHUNK, chunk_body, 0)


def _am_body(enc_ref, am_ref, out_ref):
    enc = enc_ref[...]
    am = am_ref[...]
    dots = lax.dot_general(
        enc, am, (((1,), (1,)), ((), ())), preferred_element_type=jnp.float32)
    ne = jnp.sqrt(jnp.sum(enc * enc, axis=1, keepdims=True)) + 1e-12
    na = jnp.sqrt(jnp.sum(am * am, axis=1)).reshape(1, NUM_CLASSES) + 1e-12
    out_ref[...] = dots / ne / na


def _sc_classify(flat, position, value_table, am, nb):
    mesh = plsc.VectorSubcoreMesh(
        core_axis_name="c", subcore_axis_name="s",
        num_cores=SC_CORES, num_subcores=SC_SUBCORES)
    enc = pl.kernel(
        lambda *a: _enc_body(nb, *a),
        out_type=jax.ShapeDtypeStruct((nb, DIM), jnp.float32),
        mesh=mesh,
        compiler_params=pltpu.CompilerParams(use_tc_tiling_on_sc=False),
        scratch_types=[
            pltpu.VMEM((CHUNK, IMG), jnp.float32),
            pltpu.VMEM((IMG, COLS), jnp.float32),
            pltpu.VMEM((LEVELS, COLS), jnp.float32),
            pltpu.VMEM((CHUNK, COLS), jnp.float32),
        ],
    )(flat, position, value_table)
    return pl.pallas_call(
        _am_body,
        out_shape=jax.ShapeDtypeStruct((nb, NUM_CLASSES), jnp.float32),
    )(enc, am)


def kernel(x, position, value_table, am):
    flat = x.reshape(BATCH, IMG)
    out_sc = _sc_classify(flat[:NSC], position, value_table, am, NSC)
    out_tc = _tc_classify(flat[NSC:], position, value_table, am, BATCH - NSC)
    return jnp.concatenate([out_sc, out_tc], axis=0)

# --- scband reference (transcript-rebuilt; emitter-appended) ---
"""Pipeline reference for scband-mnist-hdc-25288767438962 (READ-ONLY COPY).

The authoritative reference and input builder live on the scoring server;
editing this copy changes nothing except your own understanding.
"""

import jax, jax.numpy as jnp
import numpy as np

DIM = 2048
IMG = 784
LEVELS = 256
NUM_CLASSES = 10
BATCH = 128


def _thermometer_table(levels, dim):
    # torchhd Thermometer: level i has the first round(i * dim/(levels-1)) elements +1, rest -1
    span = dim / (levels - 1)
    col = np.arange(dim)[None, :]
    lvl = np.arange(levels)[:, None]
    tab = np.where(col < np.round(lvl * span), 1.0, -1.0).astype(np.float32)
    return jnp.asarray(tab)


def setup_inputs(seed: int = 0) -> dict:
    key = jax.random.key(seed)
    k1, k2, k3 = jax.random.split(key, 3)
    x = jax.random.uniform(k1, (BATCH, 1, 28, 28), dtype=jnp.float32)
    # Random (MAP) position hypervectors: uniform random +/-1 per pixel position
    position = jnp.where(jax.random.bernoulli(k2, 0.5, (IMG, DIM)), 1.0, -1.0).astype(jnp.float32)
    # Thermometer level codebook
    value_table = _thermometer_table(LEVELS, DIM)
    # Associative-memory class hypervectors (10 classes)
    am = jnp.where(jax.random.bernoulli(k3, 0.5, (NUM_CLASSES, DIM)), 1.0, -1.0).astype(jnp.float32)
    return {"x": x, "position": position, "value_table": value_table, "am": am}


def reference(x, position, value_table, am):
    B = x.shape[0]
    flat = x.reshape(B, -1)  # Flatten -> [B, 784]
    levels = value_table.shape[0]
    # torchhd value_to_index with low=0, high=1
    idx = jnp.clip(jnp.round(flat * (levels - 1)), 0, levels - 1).astype(jnp.int32)  # [B, 784]
    # Thermometer embedding lookup (gather): [B, 784, D]
    val_hv = jnp.take(value_table, idx, axis=0)
    # bind (MAP = elementwise multiply) with position hypervectors
    bound = position[None, :, :] * val_hv
    # multiset (bundle) = sum over the position axis -> [B, D]
    enc = jnp.sum(bound, axis=-2)
    # AM search: cosine similarity against class hypervectors -> [B, 10]
    enc_n = enc / (jnp.linalg.norm(enc, axis=-1, keepdims=True) + 1e-12)
    am_n = am / (jnp.linalg.norm(am, axis=-1, keepdims=True) + 1e-12)
    return enc_n @ am_n.T

if __name__ == "__main__":
    import jax
    _d = setup_inputs()
    print(jax.jit(kernel)(*tuple(_d.values())))

</pallas_src>

<mosaic_0001>
#map = affine_map<(d0, d1) -> (0, 0)>
module attributes {stable_mosaic.version = 14 : i64} {
  func.func @_lambda_(%arg0: i32, %arg1: i32, %arg2: memref<16x784xf32, #tpu.memory_space<hbm>>, %arg3: memref<784x2048xf32, #tpu.memory_space<hbm>>, %arg4: memref<256x2048xf32, #tpu.memory_space<hbm>>, %arg5: memref<16x2048xf32, #tpu.memory_space<hbm>>, %arg6: memref<16x784xf32, #tpu.memory_space<vmem>>, %arg7: memref<784x64xf32, #tpu.memory_space<vmem>>, %arg8: memref<256x64xf32, #tpu.memory_space<vmem>>, %arg9: memref<16x64xf32, #tpu.memory_space<vmem>>) attributes {dimension_semantics = [#tpu.dimension_semantics<core_parallel>, #tpu.dimension_semantics<subcore_parallel>], iteration_bounds = array<i64: 2, 16>, scalar_prefetch = 0 : i64, scratch_operands = 4 : i64, tpu.core_type = #tpu.core_type<sc_vector_subcore>, window_params = [{transform_indices = #map}, {transform_indices = #map}, {transform_indices = #map}, {transform_indices = #map}]} {
    %mul3A = arith.constant 2 : i32
    %mul3A_0 = arith.muli %arg1, %mul3A : i32
    %add3A = arith.addi %mul3A_0, %arg0 : i32
    %mul3A_1 = arith.constant 64 : i32
    %mul3A_2 = arith.muli %add3A, %mul3A_1 : i32
    "tpu.region"() ({
      %run_scoped3A = tpu.sem_alloc : memref<!tpu.dma_semaphore, #tpu.memory_space<semaphore_mem>>
      %dma_start3A = arith.constant 0 : i32
      %dma_start3A_15 = tpu.memref_slice %arg3[%dma_start3A, %mul3A_2] : memref<784x2048xf32, #tpu.memory_space<hbm>> -> memref<784x64xf32, #tpu.memory_space<hbm>>
      %dma_start3A_16 = arith.constant 0 : i32
      %dma_start3A_17 = tpu.memref_slice %arg3[%dma_start3A_16, %mul3A_2] : memref<784x2048xf32, #tpu.memory_space<hbm>> -> memref<784x64xf32, #tpu.memory_space<hbm>>
      tpu.enqueue_dma source(%dma_start3A_17 : memref<784x64xf32, #tpu.memory_space<hbm>>) target(%arg7 : memref<784x64xf32, #tpu.memory_space<vmem>>) target_semaphore(%run_scoped3A : memref<!tpu.dma_semaphore, #tpu.memory_space<semaphore_mem>>)
      %dma_wait3A = arith.constant 0 : i32
      %dma_wait3A_18 = tpu.memref_slice %arg3[%dma_wait3A, %mul3A_2] : memref<784x2048xf32, #tpu.memory_space<hbm>> -> memref<784x64xf32, #tpu.memory_space<hbm>>
      %dma_wait3A_19 = arith.constant 0 : i32
      %dma_wait3A_20 = tpu.memref_slice %arg3[%dma_wait3A_19, %mul3A_2] : memref<784x2048xf32, #tpu.memory_space<hbm>> -> memref<784x64xf32, #tpu.memory_space<hbm>>
      tpu.wait_dma2 semaphore(%run_scoped3A : memref<!tpu.dma_semaphore, #tpu.memory_space<semaphore_mem>>) src(%dma_wait3A_20 : memref<784x64xf32, #tpu.memory_space<hbm>>) dst(%arg7 : memref<784x64xf32, #tpu.memory_space<vmem>>)
      tpu.yield
    }) : () -> ()
    "tpu.region"() ({
      %run_scoped3A = tpu.sem_alloc : memref<!tpu.dma_semaphore, #tpu.memory_space<semaphore_mem>>
      %dma_start3A = arith.constant 0 : i32
      %dma_start3A_15 = tpu.memref_slice %arg4[%dma_start3A, %mul3A_2] : memref<256x2048xf32, #tpu.memory_space<hbm>> -> memref<256x64xf32, #tpu.memory_space<hbm>>
      %dma_start3A_16 = arith.constant 0 : i32
      %dma_start3A_17 = tpu.memref_slice %arg4[%dma_start3A_16, %mul3A_2] : memref<256x2048xf32, #tpu.memory_space<hbm>> -> memref<256x64xf32, #tpu.memory_space<hbm>>
      tpu.enqueue_dma source(%dma_start3A_17 : memref<256x64xf32, #tpu.memory_space<hbm>>) target(%arg8 : memref<256x64xf32, #tpu.memory_space<vmem>>) target_semaphore(%run_scoped3A : memref<!tpu.dma_semaphore, #tpu.memory_space<semaphore_mem>>)
      %dma_wait3A = arith.constant 0 : i32
      %dma_wait3A_18 = tpu.memref_slice %arg4[%dma_wait3A, %mul3A_2] : memref<256x2048xf32, #tpu.memory_space<hbm>> -> memref<256x64xf32, #tpu.memory_space<hbm>>
      %dma_wait3A_19 = arith.constant 0 : i32
      %dma_wait3A_20 = tpu.memref_slice %arg4[%dma_wait3A_19, %mul3A_2] : memref<256x2048xf32, #tpu.memory_space<hbm>> -> memref<256x64xf32, #tpu.memory_space<hbm>>
      tpu.wait_dma2 semaphore(%run_scoped3A : memref<!tpu.dma_semaphore, #tpu.memory_space<semaphore_mem>>) src(%dma_wait3A_20 : memref<256x64xf32, #tpu.memory_space<hbm>>) dst(%arg8 : memref<256x64xf32, #tpu.memory_space<vmem>>)
      tpu.yield
    }) : () -> ()
    %scan3A = arith.constant 0 : i32
    %scan3A_3 = arith.constant 0 : i32
    %mul3A_4 = arith.constant 16 : i32
    %mul3A_5 = arith.muli %scan3A_3, %mul3A_4 : i32
    "tpu.region"() ({
      %run_scoped3A = tpu.sem_alloc : memref<!tpu.dma_semaphore, #tpu.memory_space<semaphore_mem>>
      %dma_start3A = arith.constant 0 : i32
      %dma_start3A_15 = tpu.memref_slice %arg2[%mul3A_5, %dma_start3A] : memref<16x784xf32, #tpu.memory_space<hbm>> -> memref<16x784xf32, #tpu.memory_space<hbm>>
      %dma_start3A_16 = arith.constant 0 : i32
      %dma_start3A_17 = tpu.memref_slice %arg2[%mul3A_5, %dma_start3A_16] : memref<16x784xf32, #tpu.memory_space<hbm>> -> memref<16x784xf32, #tpu.memory_space<hbm>>
      tpu.enqueue_dma source(%dma_start3A_17 : memref<16x784xf32, #tpu.memory_space<hbm>>) target(%arg6 : memref<16x784xf32, #tpu.memory_space<vmem>>) target_semaphore(%run_scoped3A : memref<!tpu.dma_semaphore, #tpu.memory_space<semaphore_mem>>)
      %dma_wait3A = arith.constant 0 : i32
      %dma_wait3A_18 = tpu.memref_slice %arg2[%mul3A_5, %dma_wait3A] : memref<16x784xf32, #tpu.memory_space<hbm>> -> memref<16x784xf32, #tpu.memory_space<hbm>>
      %dma_wait3A_19 = arith.constant 0 : i32
      %dma_wait3A_20 = tpu.memref_slice %arg2[%mul3A_5, %dma_wait3A_19] : memref<16x784xf32, #tpu.memory_space<hbm>> -> memref<16x784xf32, #tpu.memory_space<hbm>>
      tpu.wait_dma2 semaphore(%run_scoped3A : memref<!tpu.dma_semaphore, #tpu.memory_space<semaphore_mem>>) src(%dma_wait3A_20 : memref<16x784xf32, #tpu.memory_space<hbm>>) dst(%arg6 : memref<16x784xf32, #tpu.memory_space<vmem>>)
      tpu.yield
    }) : () -> ()
    %scan3A_6 = arith.constant 0 : i32
    %scan3A_7 = arith.constant 0 : i32
    %scan3A_8 = arith.constant 16 : i32
    %scan3A_9 = arith.addi %scan3A_7, %scan3A_8 : i32
    %scan3A_10 = arith.constant 1 : i32
    scf.for %scan3A_15 = %scan3A_7 to %scan3A_9 step %scan3A_10  : i32 {
      %broadcast_in_dim3A = arith.constant 0.000000e+00 : f32
      %broadcast_in_dim3A_16 = vector.broadcast %broadcast_in_dim3A : f32 to vector<16xf32>
      %broadcast_in_dim3A_17 = arith.constant 0.000000e+00 : f32
      %broadcast_in_dim3A_18 = vector.broadcast %broadcast_in_dim3A_17 : f32 to vector<16xf32>
      %broadcast_in_dim3A_19 = arith.constant 0.000000e+00 : f32
      %broadcast_in_dim3A_20 = vector.broadcast %broadcast_in_dim3A_19 : f32 to vector<16xf32>
      %broadcast_in_dim3A_21 = arith.constant 0.000000e+00 : f32
      %broadcast_in_dim3A_22 = vector.broadcast %broadcast_in_dim3A_21 : f32 to vector<16xf32>
      %scan3A_23 = arith.constant 0 : i32
      %scan3A_24 = arith.constant 49 : i32
      %scan3A_25 = arith.addi %scan3A_23, %scan3A_24 : i32
      %scan3A_26 = arith.constant 1 : i32
      %scan3A_27:4 = scf.for %scan3A_48 = %scan3A_23 to %scan3A_25 step %scan3A_26 iter_args(%scan3A_49 = %broadcast_in_dim3A_16, %scan3A_50 = %broadcast_in_dim3A_18, %scan3A_51 = %broadcast_in_dim3A_20, %scan3A_52 = %broadcast_in_dim3A_22) -> (vector<16xf32>, vector<16xf32>, vector<16xf32>, vector<16xf32>)  : i32 {
        %mul3A_53 = arith.constant 16 : i32
        %mul3A_54 = arith.muli %scan3A_48, %mul3A_53 : i32
        %get3A = arith.index_cast %scan3A_15 : i32 to index
        %get3A_55 = arith.index_cast %mul3A_54 : i32 to index
        %get3A_56 = tpu.vector_load %arg6[%get3A, %get3A_55] {strides = array<i32>} : memref<16x784xf32, #tpu.memory_space<vmem>>, vector<1x16xf32>,
        %get3A_57 = vector.shape_cast %get3A_56 : vector<1x16xf32> to vector<16xf32>
        %mul3A_58 = arith.constant 2.550000e+02 : f32
        %mul3A_59 = vector.broadcast %mul3A_58 : f32 to vector<16xf32>
        %mul3A_60 = arith.mulf %get3A_57, %mul3A_59 : vector<16xf32>
        %max3A = arith.constant 0.000000e+00 : f32
        %max3A_61 = vector.broadcast %max3A : f32 to vector<16xf32>
        %max3A_62 = arith.maximumf %mul3A_60, %max3A_61 : vector<16xf32>
        %min3A = arith.constant 2.550000e+02 : f32
        %min3A_63 = vector.broadcast %min3A : f32 to vector<16xf32>
        %min3A_64 = arith.minimumf %max3A_62, %min3A_63 : vector<16xf32>
        %add3A_65 = arith.constant 0x4B000000 : f32
        %add3A_66 = vector.broadcast %add3A_65 : f32 to vector<16xf32>
        %add3A_67 = arith.addf %min3A_64, %add3A_66 : vector<16xf32>
        %sub3A = arith.constant 0x4B000000 : f32
        %sub3A_68 = vector.broadcast %sub3A : f32 to vector<16xf32>
        %sub3A_69 = arith.subf %add3A_67, %sub3A_68 : vector<16xf32>
        %convert_element_type3A = arith.fptosi %sub3A_69 : vector<16xf32> to vector<16xi32>
        %slice3A = vector.extract_strided_slice %convert_element_type3A {offsets = [0], sizes = [1], strides = [1]} : vector<16xi32> to vector<1xi32>
        %squeeze3A = vector.extract %slice3A[0] : i32 from vector<1xi32>
        %mul3A_70 = arith.constant 16 : i32
        %mul3A_71 = arith.muli %scan3A_48, %mul3A_70 : i32
        %add3A_72 = arith.constant 0 : i32
        %add3A_73 = arith.addi %mul3A_71, %add3A_72 : i32
        %get3A_74 = arith.index_cast %squeeze3A : i32 to index
        %get3A_75 = arith.constant 0 : index
        %get3A_76 = tpu.vector_load %arg8[%get3A_74, %get3A_75] {strides = array<i32>} : memref<256x64xf32, #tpu.memory_space<vmem>>, vector<1x16xf32>,
        %get3A_77 = vector.shape_cast %get3A_76 : vector<1x16xf32> to vector<16xf32>
        %get3A_78 = arith.index_cast %add3A_73 : i32 to index
        %get3A_79 = arith.constant 0 : index
        %get3A_80 = tpu.vector_load %arg7[%get3A_78, %get3A_79] {strides = array<i32>} : memref<784x64xf32, #tpu.memory_space<vmem>>, vector<1x16xf32>,
        %get3A_81 = vector.shape_cast %get3A_80 : vector<1x16xf32> to vector<16xf32>
        %mul3A_82 = arith.mulf %get3A_77, %get3A_81 : vector<16xf32>
        %add3A_83 = arith.addf %scan3A_49, %mul3A_82 : vector<16xf32>
        %get3A_84 = arith.index_cast %squeeze3A : i32 to index
        %get3A_85 = arith.constant 16 : index
        %get3A_86 = tpu.vector_load %arg8[%get3A_84, %get3A_85] {strides = array<i32>} : memref<256x64xf32, #tpu.memory_space<vmem>>, vector<1x16xf32>,
        %get3A_87 = vector.shape_cast %get3A_86 : vector<1x16xf32> to vector<16xf32>
        %get3A_88 = arith.index_cast %add3A_73 : i32 to index
        %get3A_89 = arith.constant 16 : index
        %get3A_90 = tpu.vector_load %arg7[%get3A_88, %get3A_89] {strides = array<i32>} : memref<784x64xf32, #tpu.memory_space<vmem>>, vector<1x16xf32>,
        %get3A_91 = vector.shape_cast %get3A_90 : vector<1x16xf32> to vector<16xf32>
        %mul3A_92 = arith.mulf %get3A_87, %get3A_91 : vector<16xf32>
        %add3A_93 = arith.addf %scan3A_50, %mul3A_92 : vector<16xf32>
        %get3A_94 = arith.index_cast %squeeze3A : i32 to index
        %get3A_95 = arith.constant 32 : index
        %get3A_96 = tpu.vector_load %arg8[%get3A_94, %get3A_95] {strides = array<i32>} : memref<256x64xf32, #tpu.memory_space<vmem>>, vector<1x16xf32>,
        %get3A_97 = vector.shape_cast %get3A_96 : vector<1x16xf32> to vector<16xf32>
        %get3A_98 = arith.index_cast %add3A_73 : i32 to index
        %get3A_99 = arith.constant 32 : index
        %get3A_100 = tpu.vector_load %arg7[%get3A_98, %get3A_99] {strides = array<i32>} : memref<784x64xf32, #tpu.memory_space<vmem>>, vector<1x16xf32>,
        %get3A_101 = vector.shape_cast %get3A_100 : vector<1x16xf32> to vector<16xf32>
        %mul3A_102 = arith.mulf %get3A_97, %get3A_101 : vector<16xf32>
        %add3A_103 = arith.addf %scan3A_51, %mul3A_102 : vector<16xf32>
        %get3A_104 = arith.index_cast %squeeze3A : i32 to index
        %get3A_105 = arith.constant 48 : index
        %get3A_106 = tpu.vector_load %arg8[%get3A_104, %get3A_105] {strides = array<i32>} : memref<256x64xf32, #tpu.memory_space<vmem>>, vector<1x16xf32>,
        %get3A_107 = vector.shape_cast %get3A_106 : vector<1x16xf32> to vector<16xf32>
        %get3A_108 = arith.index_cast %add3A_73 : i32 to index
        %get3A_109 = arith.constant 48 : index
        %get3A_110 = tpu.vector_load %arg7[%get3A_108, %get3A_109] {strides = array<i32>} : memref<784x64xf32, #tpu.memory_space<vmem>>, vector<1x16xf32>,
        %get3A_111 = vector.shape_cast %get3A_110 : vector<1x16xf32> to vector<16xf32>
        %mul3A_112 = arith.mulf %get3A_107, %get3A_111 : vector<16xf32>
        %add3A_113 = arith.addf %scan3A_52, %mul3A_112 : vector<16xf32>
        %slice3A_114 = vector.extract_strided_slice %convert_element_type3A {offsets = [1], sizes = [1], strides = [1]} : vector<16xi32> to vector<1xi32>
        %squeeze3A_115 = vector.extract %slice3A_114[0] : i32 from vector<1xi32>
        %mul3A_116 = arith.constant 16 : i32
        %mul3A_117 = arith.muli %scan3A_48, %mul3A_116 : i32
        %add3A_118 = arith.constant 1 : i32
        %add3A_119 = arith.addi %mul3A_117, %add3A_118 : i32
        %get3A_120 = arith.index_cast %squeeze3A_115 : i32 to index
        %get3A_121 = arith.constant 0 : index
        %get3A_122 = tpu.vector_load %arg8[%get3A_120, %get3A_121] {strides = array<i32>} : memref<256x64xf32, #tpu.memory_space<vmem>>, vector<1x16xf32>,
        %get3A_123 = vector.shape_cast %get3A_122 : vector<1x16xf32> to vector<16xf32>
        %get3A_124 = arith.index_cast %add3A_119 : i32 to index
        %get3A_125 = arith.constant 0 : index
        %get3A_126 = tpu.vector_load %arg7[%get3A_124, %get3A_125] {strides = array<i32>} : memref<784x64xf32, #tpu.memory_space<vmem>>, vector<1x16xf32>,
        %get3A_127 = vector.shape_cast %get3A_126 : vector<1x16xf32> to vector<16xf32>
        %mul3A_128 = arith.mulf %get3A_123, %get3A_127 : vector<16xf32>
        %add3A_129 = arith.addf %add3A_83, %mul3A_128 : vector<16xf32>
        %get3A_130 = arith.index_cast %squeeze3A_115 : i32 to index
        %get3A_131 = arith.constant 16 : index
        %get3A_132 = tpu.vector_load %arg8[%get3A_130, %get3A_131] {strides = array<i32>} : memref<256x64xf32, #tpu.memory_space<vmem>>, vector<1x16xf32>,
        %get3A_133 = vector.shape_cast %get3A_132 : vector<1x16xf32> to vector<16xf32>
        %get3A_134 = arith.index_cast %add3A_119 : i32 to index
        %get3A_135 = arith.constant 16 : index
        %get3A_136 = tpu.vector_load %arg7[%get3A_134, %get3A_135] {strides = array<i32>} : memref<784x64xf32, #tpu.memory_space<vmem>>, vector<1x16xf32>,
        %get3A_137 = vector.shape_cast %get3A_136 : vector<1x16xf32> to vector<16xf32>
        %mul3A_138 = arith.mulf %get3A_133, %get3A_137 : vector<16xf32>
        %add3A_139 = arith.addf %add3A_93, %mul3A_138 : vector<16xf32>
        %get3A_140 = arith.index_cast %squeeze3A_115 : i32 to index
        %get3A_141 = arith.constant 32 : index
        %get3A_142 = tpu.vector_load %arg8[%get3A_140, %get3A_141] {strides = array<i32>} : memref<256x64xf32, #tpu.memory_space<vmem>>, vector<1x16xf32>,
        %get3A_143 = vector.shape_cast %get3A_142 : vector<1x16xf32> to vector<16xf32>
        %get3A_144 = arith.index_cast %add3A_119 : i32 to index
        %get3A_145 = arith.constant 32 : index
        %get3A_146 = tpu.vector_load %arg7[%get3A_144, %get3A_145] {strides = array<i32>} : memref<784x64xf32, #tpu.memory_space<vmem>>, vector<1x16xf32>,
        %get3A_147 = vector.shape_cast %get3A_146 : vector<1x16xf32> to vector<16xf32>
        %mul3A_148 = arith.mulf %get3A_143, %get3A_147 : vector<16xf32>
        %add3A_149 = arith.addf %add3A_103, %mul3A_148 : vector<16xf32>
        %get3A_150 = arith.index_cast %squeeze3A_115 : i32 to index
        %get3A_151 = arith.constant 48 : index
        %get3A_152 = tpu.vector_load %arg8[%get3A_150, %get3A_151] {strides = array<i32>} : memref<256x64xf32, #tpu.memory_space<vmem>>, vector<1x16xf32>,
        %get3A_153 = vector.shape_cast %get3A_152 : vector<1x16xf32> to vector<16xf32>
        %get3A_154 = arith.index_cast %add3A_119 : i32 to index
        %get3A_155 = arith.constant 48 : index
        %get3A_156 = tpu.vector_load %arg7[%get3A_154, %get3A_155] {strides = array<i32>} : memref<784x64xf32, #tpu.memory_space<vmem>>, vector<1x16xf32>,
        %get3A_157 = vector.shape_cast %get3A_156 : vector<1x16xf32> to vector<16xf32>
        %mul3A_158 = arith.mulf %get3A_153, %get3A_157 : vector<16xf32>
        %add3A_159 = arith.addf %add3A_113, %mul3A_158 : vector<16xf32>
        %slice3A_160 = vector.extract_strided_slice %convert_element_type3A {offsets = [2], sizes = [1], strides = [1]} : vector<16xi32> to vector<1xi32>
        %squeeze3A_161 = vector.extract %slice3A_160[0] : i32 from vector<1xi32>
        %mul3A_162 = arith.constant 16 : i32
        %mul3A_163 = arith.muli %scan3A_48, %mul3A_162 : i32
        %add3A_164 = arith.constant 2 : i32
        %add3A_165 = arith.addi %mul3A_163, %add3A_164 : i32
        %get3A_166 = arith.index_cast %squeeze3A_161 : i32 to index
        %get3A_167 = arith.constant 0 : index
        %get3A_168 = tpu.vector_load %arg8[%get3A_166, %get3A_167] {strides = array<i32>} : memref<256x64xf32, #tpu.memory_space<vmem>>, vector<1x16xf32>,
        %get3A_169 = vector.shape_cast %get3A_168 : vector<1x16xf32> to vector<16xf32>
        %get3A_170 = arith.index_cast %add3A_165 : i32 to index
        %get3A_171 = arith.constant 0 : index
        %get3A_172 = tpu.vector_load %arg7[%get3A_170, %get3A_171] {strides = array<i32>} : memref<784x64xf32, #tpu.memory_space<vmem>>, vector<1x16xf32>,
        %get3A_173 = vector.shape_cast %get3A_172 : vector<1x16xf32> to vector<16xf32>
        %mul3A_174 = arith.mulf %get3A_169, %get3A_173 : vector<16xf32>
        %add3A_175 = arith.addf %add3A_129, %mul3A_174 : vector<16xf32>
        %get3A_176 = arith.index_cast %squeeze3A_161 : i32 to index
        %get3A_177 = arith.constant 16 : index
        %get3A_178 = tpu.vector_load %arg8[%get3A_176, %get3A_177] {strides = array<i32>} : memref<256x64xf32, #tpu.memory_space<vmem>>, vector<1x16xf32>,
        %get3A_179 = vector.shape_cast %get3A_178 : vector<1x16xf32> to vector<16xf32>
        %get3A_180 = arith.index_cast %add3A_165 : i32 to index
        %get3A_181 = arith.constant 16 : index
        %get3A_182 = tpu.vector_load %arg7[%get3A_180, %get3A_181] {strides = array<i32>} : memref<784x64xf32, #tpu.memory_space<vmem>>, vector<1x16xf32>,
        %get3A_183 = vector.shape_cast %get3A_182 : vector<1x16xf32> to vector<16xf32>
        %mul3A_184 = arith.mulf %get3A_179, %get3A_183 : vector<16xf32>
        %add3A_185 = arith.addf %add3A_139, %mul3A_184 : vector<16xf32>
        %get3A_186 = arith.index_cast %squeeze3A_161 : i32 to index
        %get3A_187 = arith.constant 32 : index
        %get3A_188 = tpu.vector_load %arg8[%get3A_186, %get3A_187] {strides = array<i32>} : memref<256x64xf32, #tpu.memory_space<vmem>>, vector<1x16xf32>,
        %get3A_189 = vector.shape_cast %get3A_188 : vector<1x16xf32> to vector<16xf32>
        %get3A_190 = arith.index_cast %add3A_165 : i32 to index
        %get3A_191 = arith.constant 32 : index
        %get3A_192 = tpu.vector_load %arg7[%get3A_190, %get3A_191] {strides = array<i32>} : memref<784x64xf32, #tpu.memory_space<vmem>>, vector<1x16xf32>,
        %get3A_193 = vector.shape_cast %get3A_192 : vector<1x16xf32> to vector<16xf32>
        %mul3A_194 = arith.mulf %get3A_189, %get3A_193 : vector<16xf32>
        %add3A_195 = arith.addf %add3A_149, %mul3A_194 : vector<16xf32>
        %get3A_196 = arith.index_cast %squeeze3A_161 : i32 to index
        %get3A_197 = arith.constant 48 : index
        %get3A_198 = tpu.vector_load %arg8[%get3A_196, %get3A_197] {strides = array<i32>} : memref<256x64xf32, #tpu.memory_space<vmem>>, vector<1x16xf32>,
        %get3A_199 = vector.shape_cast %get3A_198 : vector<1x16xf32> to vector<16xf32>
        %get3A_200 = arith.index_cast %add3A_165 : i32 to index
        %get3A_201 = arith.constant 48 : index
        %get3A_202 = tpu.vector_load %arg7[%get3A_200, %get3A_201] {strides = array<i32>} : memref<784x64xf32, #tpu.memory_space<vmem>>, vector<1x16xf32>,
        %get3A_203 = vector.shape_cast %get3A_202 : vector<1x16xf32> to vector<16xf32>
        %mul3A_204 = arith.mulf %get3A_199, %get3A_203 : vector<16xf32>
        %add3A_205 = arith.addf %add3A_159, %mul3A_204 : vector<16xf32>
        %slice3A_206 = vector.extract_strided_slice %convert_element_type3A {offsets = [3], sizes = [1], strides = [1]} : vector<16xi32> to vector<1xi32>
        %squeeze3A_207 = vector.extract %slice3A_206[0] : i32 from vector<1xi32>
        %mul3A_208 = arith.constant 16 : i32
        %mul3A_209 = arith.muli %scan3A_48, %mul3A_208 : i32
        %add3A_210 = arith.constant 3 : i32
        %add3A_211 = arith.addi %mul3A_209, %add3A_210 : i32
        %get3A_212 = arith.index_cast %squeeze3A_207 : i32 to index
        %get3A_213 = arith.constant 0 : index
        %get3A_214 = tpu.vector_load %arg8[%get3A_212, %get3A_213] {strides = array<i32>} : memref<256x64xf32, #tpu.memory_space<vmem>>, vector<1x16xf32>,
        %get3A_215 = vector.shape_cast %get3A_214 : vector<1x16xf32> to vector<16xf32>
        %get3A_216 = arith.index_cast %add3A_211 : i32 to index
        %get3A_217 = arith.constant 0 : index
        %get3A_218 = tpu.vector_load %arg7[%get3A_216, %get3A_217] {strides = array<i32>} : memref<784x64xf32, #tpu.memory_space<vmem>>, vector<1x16xf32>,
        %get3A_219 = vector.shape_cast %get3A_218 : vector<1x16xf32> to vector<16xf32>
        %mul3A_220 = arith.mulf %get3A_215, %get3A_219 : vector<16xf32>
        %add3A_221 = arith.addf %add3A_175, %mul3A_220 : vector<16xf32>
        %get3A_222 = arith.index_cast %squeeze3A_207 : i32 to index
        %get3A_223 = arith.constant 16 : index
        %get3A_224 = tpu.vector_load %arg8[%get3A_222, %get3A_223] {strides = array<i32>} : memref<256x64xf32, #tpu.memory_space<vmem>>, vector<1x16xf32>,
        %get3A_225 = vector.shape_cast %get3A_224 : vector<1x16xf32> to vector<16xf32>
        %get3A_226 = arith.index_cast %add3A_211 : i32 to index
        %get3A_227 = arith.constant 16 : index
        %get3A_228 = tpu.vector_load %arg7[%get3A_226, %get3A_227] {strides = array<i32>} : memref<784x64xf32, #tpu.memory_space<vmem>>, vector<1x16xf32>,
        %get3A_229 = vector.shape_cast %get3A_228 : vector<1x16xf32> to vector<16xf32>
        %mul3A_230 = arith.mulf %get3A_225, %get3A_229 : vector<16xf32>
        %add3A_231 = arith.addf %add3A_185, %mul3A_230 : vector<16xf32>
        %get3A_232 = arith.index_cast %squeeze3A_207 : i32 to index
        %get3A_233 = arith.constant 32 : index
        %get3A_234 = tpu.vector_load %arg8[%get3A_232, %get3A_233] {strides = array<i32>} : memref<256x64xf32, #tpu.memory_space<vmem>>, vector<1x16xf32>,
        %get3A_235 = vector.shape_cast %get3A_234 : vector<1x16xf32> to vector<16xf32>
        %get3A_236 = arith.index_cast %add3A_211 : i32 to index
        %get3A_237 = arith.constant 32 : index
        %get3A_238 = tpu.vector_load %arg7[%get3A_236, %get3A_237] {strides = array<i32>} : memref<784x64xf32, #tpu.memory_space<vmem>>, vector<1x16xf32>,
        %get3A_239 = vector.shape_cast %get3A_238 : vector<1x16xf32> to vector<16xf32>
        %mul3A_240 = arith.mulf %get3A_235, %get3A_239 : vector<16xf32>
        %add3A_241 = arith.addf %add3A_195, %mul3A_240 : vector<16xf32>
        %get3A_242 = arith.index_cast %squeeze3A_207 : i32 to index
        %get3A_243 = arith.constant 48 : index
        %get3A_244 = tpu.vector_load %arg8[%get3A_242, %get3A_243] {strides = array<i32>} : memref<256x64xf32, #tpu.memory_space<vmem>>, vector<1x16xf32>,
        %get3A_245 = vector.shape_cast %get3A_244 : vector<1x16xf32> to vector<16xf32>
        %get3A_246 = arith.index_cast %add3A_211 : i32 to index
        %get3A_247 = arith.constant 48 : index
        %get3A_248 = tpu.vector_load %arg7[%get3A_246, %get3A_247] {strides = array<i32>} : memref<784x64xf32, #tpu.memory_space<vmem>>, vector<1x16xf32>,
        %get3A_249 = vector.shape_cast %get3A_248 : vector<1x16xf32> to vector<16xf32>
        %mul3A_250 = arith.mulf %get3A_245, %get3A_249 : vector<16xf32>
        %add3A_251 = arith.addf %add3A_205, %mul3A_250 : vector<16xf32>
        %slice3A_252 = vector.extract_strided_slice %convert_element_type3A {offsets = [4], sizes = [1], strides = [1]} : vector<16xi32> to vector<1xi32>
        %squeeze3A_253 = vector.extract %slice3A_252[0] : i32 from vector<1xi32>
        %mul3A_254 = arith.constant 16 : i32
        %mul3A_255 = arith.muli %scan3A_48, %mul3A_254 : i32
        %add3A_256 = arith.constant 4 : i32
        %add3A_257 = arith.addi %mul3A_255, %add3A_256 : i32
        %get3A_258 = arith.index_cast %squeeze3A_253 : i32 to index
        %get3A_259 = arith.constant 0 : index
        %get3A_260 = tpu.vector_load %arg8[%get3A_258, %get3A_259] {strides = array<i32>} : memref<256x64xf32, #tpu.memory_space<vmem>>, vector<1x16xf32>,
        %get3A_261 = vector.shape_cast %get3A_260 : vector<1x16xf32> to vector<16xf32>
        %get3A_262 = arith.index_cast %add3A_257 : i32 to index
        %get3A_263 = arith.constant 0 : index
        %get3A_264 = tpu.vector_load %arg7[%get3A_262, %get3A_263] {strides = array<i32>} : memref<784x64xf32, #tpu.memory_space<vmem>>, vector<1x16xf32>,
        %get3A_265 = vector.shape_cast %get3A_264 : vector<1x16xf32> to vector<16xf32>
        %mul3A_266 = arith.mulf %get3A_261, %get3A_265 : vector<16xf32>
        %add3A_267 = arith.addf %add3A_221, %mul3A_266 : vector<16xf32>
        %get3A_268 = arith.index_cast %squeeze3A_253 : i32 to index
        %get3A_269 = arith.constant 16 : index
        %get3A_270 = tpu.vector_load %arg8[%get3A_268, %get3A_269] {strides = array<i32>} : memref<256x64xf32, #tpu.memory_space<vmem>>, vector<1x16xf32>,
        %get3A_271 = vector.shape_cast %get3A_270 : vector<1x16xf32> to vector<16xf32>
        %get3A_272 = arith.index_cast %add3A_257 : i32 to index
        %get3A_273 = arith.constant 16 : index
        %get3A_274 = tpu.vector_load %arg7[%get3A_272, %get3A_273] {strides = array<i32>} : memref<784x64xf32, #tpu.memory_space<vmem>>, vector<1x16xf32>,
        %get3A_275 = vector.shape_cast %get3A_274 : vector<1x16xf32> to vector<16xf32>
        %mul3A_276 = arith.mulf %get3A_271, %get3A_275 : vector<16xf32>
        %add3A_277 = arith.addf %add3A_231, %mul3A_276 : vector<16xf32>
        %get3A_278 = arith.index_cast %squeeze3A_253 : i32 to index
        %get3A_279 = arith.constant 32 : index
        %get3A_280 = tpu.vector_load %arg8[%get3A_278, %get3A_279] {strides = array<i32>} : memref<256x64xf32, #tpu.memory_space<vmem>>, vector<1x16xf32>,
        %get3A_281 = vector.shape_cast %get3A_280 : vector<1x16xf32> to vector<16xf32>
        %get3A_282 = arith.index_cast %add3A_257 : i32 to index
        %get3A_283 = arith.constant 32 : index
        %get3A_284 = tpu.vector_load %arg7[%get3A_282, %get3A_283] {strides = array<i32>} : memref<784x64xf32, #tpu.memory_space<vmem>>, vector<1x16xf32>,
        %get3A_285 = vector.shape_cast %get3A_284 : vector<1x16xf32> to vector<16xf32>
        %mul3A_286 = arith.mulf %get3A_281, %get3A_285 : vector<16xf32>
        %add3A_287 = arith.addf %add3A_241, %mul3A_286 : vector<16xf32>
        %get3A_288 = arith.index_cast %squeeze3A_253 : i32 to index
        %get3A_289 = arith.constant 48 : index
        %get3A_290 = tpu.vector_load %arg8[%get3A_288, %get3A_289] {strides = array<i32>} : memref<256x64xf32, #tpu.memory_space<vmem>>, vector<1x16xf32>,
        %get3A_291 = vector.shape_cast %get3A_290 : vector<1x16xf32> to vector<16xf32>
        %get3A_292 = arith.index_cast %add3A_257 : i32 to index
        %get3A_293 = arith.constant 48 : index
        %get3A_294 = tpu.vector_load %arg7[%get3A_292, %get3A_293] {strides = array<i32>} : memref<784x64xf32, #tpu.memory_space<vmem>>, vector<1x16xf32>,
        %get3A_295 = vector.shape_cast %get3A_294 : vector<1x16xf32> to vector<16xf32>
        %mul3A_296 = arith.mulf %get3A_291, %get3A_295 : vector<16xf32>
        %add3A_297 = arith.addf %add3A_251, %mul3A_296 : vector<16xf32>
        %slice3A_298 = vector.extract_strided_slice %convert_element_type3A {offsets = [5], sizes = [1], strides = [1]} : vector<16xi32> to vector<1xi32>
        %squeeze3A_299 = vector.extract %slice3A_298[0] : i32 from vector<1xi32>
        %mul3A_300 = arith.constant 16 : i32
        %mul3A_301 = arith.muli %scan3A_48, %mul3A_300 : i32
        %add3A_302 = arith.constant 5 : i32
        %add3A_303 = arith.addi %mul3A_301, %add3A_302 : i32
        %get3A_304 = arith.index_cast %squeeze3A_299 : i32 to index
        %get3A_305 = arith.constant 0 : index
        %get3A_306 = tpu.vector_load %arg8[%get3A_304, %get3A_305] {strides = array<i32>} : memref<256x64xf32, #tpu.memory_space<vmem>>, vector<1x16xf32>,
        %get3A_307 = vector.shape_cast %get3A_306 : vector<1x16xf32> to vector<16xf32>
        %get3A_308 = arith.index_cast %add3A_303 : i32 to index
        %get3A_309 = arith.constant 0 : index
        %get3A_310 = tpu.vector_load %arg7[%get3A_308, %get3A_309] {strides = array<i32>} : memref<784x64xf32, #tpu.memory_space<vmem>>, vector<1x16xf32>,
        %get3A_311 = vector.shape_cast %get3A_310 : vector<1x16xf32> to vector<16xf32>
        %mul3A_312 = arith.mulf %get3A_307, %get3A_311 : vector<16xf32>
        %add3A_313 = arith.addf %add3A_267, %mul3A_312 : vector<16xf32>
        %get3A_314 = arith.index_cast %squeeze3A_299 : i32 to index
        %get3A_315 = arith.constant 16 : index
        %get3A_316 = tpu.vector_load %arg8[%get3A_314, %get3A_315] {strides = array<i32>} : memref<256x64xf32, #tpu.memory_space<vmem>>, vector<1x16xf32>,
        %get3A_317 = vector.shape_cast %get3A_316 : vector<1x16xf32> to vector<16xf32>
        %get3A_318 = arith.index_cast %add3A_303 : i32 to index
        %get3A_319 = arith.constant 16 : index
        %get3A_320 = tpu.vector_load %arg7[%get3A_318, %get3A_319] {strides = array<i32>} : memref<784x64xf32, #tpu.memory_space<vmem>>, vector<1x16xf32>,
        %get3A_321 = vector.shape_cast %get3A_320 : vector<1x16xf32> to vector<16xf32>
        %mul3A_322 = arith.mulf %get3A_317, %get3A_321 : vector<16xf32>
        %add3A_323 = arith.addf %add3A_277, %mul3A_322 : vector<16xf32>
        %get3A_324 = arith.index_cast %squeeze3A_299 : i32 to index
        %get3A_325 = arith.constant 32 : index
        %get3A_326 = tpu.vector_load %arg8[%get3A_324, %get3A_325] {strides = array<i32>} : memref<256x64xf32, #tpu.memory_space<vmem>>, vector<1x16xf32>,
        %get3A_327 = vector.shape_cast %get3A_326 : vector<1x16xf32> to vector<16xf32>
        %get3A_328 = arith.index_cast %add3A_303 : i32 to index
        %get3A_329 = arith.constant 32 : index
        %get3A_330 = tpu.vector_load %arg7[%get3A_328, %get3A_329] {strides = array<i32>} : memref<784x64xf32, #tpu.memory_space<vmem>>, vector<1x16xf32>,
        %get3A_331 = vector.shape_cast %get3A_330 : vector<1x16xf32> to vector<16xf32>
        %mul3A_332 = arith.mulf %get3A_327, %get3A_331 : vector<16xf32>
        %add3A_333 = arith.addf %add3A_287, %mul3A_332 : vector<16xf32>
        %get3A_334 = arith.index_cast %squeeze3A_299 : i32 to index
        %get3A_335 = arith.constant 48 : index
        %get3A_336 = tpu.vector_load %arg8[%get3A_334, %get3A_335] {strides = array<i32>} : memref<256x64xf32, #tpu.memory_space<vmem>>, vector<1x16xf32>,
        %get3A_337 = vector.shape_cast %get3A_336 : vector<1x16xf32> to vector<16xf32>
        %get3A_338 = arith.index_cast %add3A_303 : i32 to index
        %get3A_339 = arith.constant 48 : index
        %get3A_340 = tpu.vector_load %arg7[%get3A_338, %get3A_339] {strides = array<i32>} : memref<784x64xf32, #tpu.memory_space<vmem>>, vector<1x16xf32>,
        %get3A_341 = vector.shape_cast %get3A_340 : vector<1x16xf32> to vector<16xf32>
        %mul3A_342 = arith.mulf %get3A_337, %get3A_341 : vector<16xf32>
        %add3A_343 = arith.addf %add3A_297, %mul3A_342 : vector<16xf32>
        %slice3A_344 = vector.extract_strided_slice %convert_element_type3A {offsets = [6], sizes = [1], strides = [1]} : vector<16xi32> to vector<1xi32>
        %squeeze3A_345 = vector.extract %slice3A_344[0] : i32 from vector<1xi32>
        %mul3A_346 = arith.constant 16 : i32
        %mul3A_347 = arith.muli %scan3A_48, %mul3A_346 : i32
        %add3A_348 = arith.constant 6 : i32
        %add3A_349 = arith.addi %mul3A_347, %add3A_348 : i32
        %get3A_350 = arith.index_cast %squeeze3A_345 : i32 to index
        %get3A_351 = arith.constant 0 : index
        %get3A_352 = tpu.vector_load %arg8[%get3A_350, %get3A_351] {strides = array<i32>} : memref<256x64xf32, #tpu.memory_space<vmem>>, vector<1x16xf32>,
        %get3A_353 = vector.shape_cast %get3A_352 : vector<1x16xf32> to vector<16xf32>
        %get3A_354 = arith.index_cast %add3A_349 : i32 to index
        %get3A_355 = arith.constant 0 : index
        %get3A_356 = tpu.vector_load %arg7[%get3A_354, %get3A_355] {strides = array<i32>} : memref<784x64xf32, #tpu.memory_space<vmem>>, vector<1x16xf32>,
        %get3A_357 = vector.shape_cast %get3A_356 : vector<1x16xf32> to vector<16xf32>
        %mul3A_358 = arith.mulf %get3A_353, %get3A_357 : vector<16xf32>
        %add3A_359 = arith.addf %add3A_313, %mul3A_358 : vector<16xf32>
        %get3A_360 = arith.index_cast %squeeze3A_345 : i32 to index
        %get3A_361 = arith.constant 16 : index
        %get3A_362 = tpu.vector_load %arg8[%get3A_360, %get3A_361] {strides = array<i32>} : memref<256x64xf32, #tpu.memory_space<vmem>>, vector<1x16xf32>,
        %get3A_363 = vector.shape_cast %get3A_362 : vector<1x16xf32> to vector<16xf32>
        %get3A_364 = arith.index_cast %add3A_349 : i32 to index
        %get3A_365 = arith.constant 16 : index
        %get3A_366 = tpu.vector_load %arg7[%get3A_364, %get3A_365] {strides = array<i32>} : memref<784x64xf32, #tpu.memory_space<vmem>>, vector<1x16xf32>,
        %get3A_367 = vector.shape_cast %get3A_366 : vector<1x16xf32> to vector<16xf32>
        %mul3A_368 = arith.mulf %get3A_363, %get3A_367 : vector<16xf32>
        %add3A_369 = arith.addf %add3A_323, %mul3A_368 : vector<16xf32>
        %get3A_370 = arith.index_cast %squeeze3A_345 : i32 to index
        %get3A_371 = arith.constant 32 : index
        %get3A_372 = tpu.vector_load %arg8[%get3A_370, %get3A_371] {strides = array<i32>} : memref<256x64xf32, #tpu.memory_space<vmem>>, vector<1x16xf32>,
        %get3A_373 = vector.shape_cast %get3A_372 : vector<1x16xf32> to vector<16xf32>
        %get3A_374 = arith.index_cast %add3A_349 : i32 to index
        %get3A_375 = arith.constant 32 : index
        %get3A_376 = tpu.vector_load %arg7[%get3A_374, %get3A_375] {strides = array<i32>} : memref<784x64xf32, #tpu.memory_space<vmem>>, vector<1x16xf32>,
        %get3A_377 = vector.shape_cast %get3A_376 : vector<1x16xf32> to vector<16xf32>
        %mul3A_378 = arith.mulf %get3A_373, %get3A_377 : vector<16xf32>
        %add3A_379 = arith.addf %add3A_333, %mul3A_378 : vector<16xf32>
        %get3A_380 = arith.index_cast %squeeze3A_345 : i32 to index
        %get3A_381 = arith.constant 48 : index
        %get3A_382 = tpu.vector_load %arg8[%get3A_380, %get3A_381] {strides = array<i32>} : memref<256x64xf32, #tpu.memory_space<vmem>>, vector<1x16xf32>,
        %get3A_383 = vector.shape_cast %get3A_382 : vector<1x16xf32> to vector<16xf32>
        %get3A_384 = arith.index_cast %add3A_349 : i32 to index
        %get3A_385 = arith.constant 48 : index
        %get3A_386 = tpu.vector_load %arg7[%get3A_384, %get3A_385] {strides = array<i32>} : memref<784x64xf32, #tpu.memory_space<vmem>>, vector<1x16xf32>,
        %get3A_387 = vector.shape_cast %get3A_386 : vector<1x16xf32> to vector<16xf32>
        %mul3A_388 = arith.mulf %get3A_383, %get3A_387 : vector<16xf32>
        %add3A_389 = arith.addf %add3A_343, %mul3A_388 : vector<16xf32>
        %slice3A_390 = vector.extract_strided_slice %convert_element_type3A {offsets = [7], sizes = [1], strides = [1]} : vector<16xi32> to vector<1xi32>
        %squeeze3A_391 = vector.extract %slice3A_390[0] : i32 from vector<1xi32>
        %mul3A_392 = arith.constant 16 : i32
        %mul3A_393 = arith.muli %scan3A_48, %mul3A_392 : i32
        %add3A_394 = arith.constant 7 : i32
        %add3A_395 = arith.addi %mul3A_393, %add3A_394 : i32
        %get3A_396 = arith.index_cast %squeeze3A_391 : i32 to index
        %get3A_397 = arith.constant 0 : index
        %get3A_398 = tpu.vector_load %arg8[%get3A_396, %get3A_397] {strides = array<i32>} : memref<256x64xf32, #tpu.memory_space<vmem>>, vector<1x16xf32>,
        %get3A_399 = vector.shape_cast %get3A_398 : vector<1x16xf32> to vector<16xf32>
        %get3A_400 = arith.index_cast %add3A_395 : i32 to index
        %get3A_401 = arith.constant 0 : index
        %get3A_402 = tpu.vector_load %arg7[%get3A_400, %get3A_401] {strides = array<i32>} : memref<784x64xf32, #tpu.memory_space<vmem>>, vector<1x16xf32>,
        %get3A_403 = vector.shape_cast %get3A_402 : vector<1x16xf32> to vector<16xf32>
        %mul3A_404 = arith.mulf %get3A_399, %get3A_403 : vector<16xf32>
        %add3A_405 = arith.addf %add3A_359, %mul3A_404 : vector<16xf32>
        %get3A_406 = arith.index_cast %squeeze3A_391 : i32 to index
        %get3A_407 = arith.constant 16 : index
        %get3A_408 = tpu.vector_load %arg8[%get3A_406, %get3A_407] {strides = array<i32>} : memref<256x64xf32, #tpu.memory_space<vmem>>, vector<1x16xf32>,
        %get3A_409 = vector.shape_cast %get3A_408 : vector<1x16xf32> to vector<16xf32>
        %get3A_410 = arith.index_cast %add3A_395 : i32 to index
        %get3A_411 = arith.constant 16 : index
        %get3A_412 = tpu.vector_load %arg7[%get3A_410, %get3A_411] {strides = array<i32>} : memref<784x64xf32, #tpu.memory_space<vmem>>, vector<1x16xf32>,
        %get3A_413 = vector.shape_cast %get3A_412 : vector<1x16xf32> to vector<16xf32>
        %mul3A_414 = arith.mulf %get3A_409, %get3A_413 : vector<16xf32>
        %add3A_415 = arith.addf %add3A_369, %mul3A_414 : vector<16xf32>
        %get3A_416 = arith.index_cast %squeeze3A_391 : i32 to index
        %get3A_417 = arith.constant 32 : index
        %get3A_418 = tpu.vector_load %arg8[%get3A_416, %get3A_417] {strides = array<i32>} : memref<256x64xf32, #tpu.memory_space<vmem>>, vector<1x16xf32>,
        %get3A_419 = vector.shape_cast %get3A_418 : vector<1x16xf32> to vector<16xf32>
        %get3A_420 = arith.index_cast %add3A_395 : i32 to index
        %get3A_421 = arith.constant 32 : index
        %get3A_422 = tpu.vector_load %arg7[%get3A_420, %get3A_421] {strides = array<i32>} : memref<784x64xf32, #tpu.memory_space<vmem>>, vector<1x16xf32>,
        %get3A_423 = vector.shape_cast %get3A_422 : vector<1x16xf32> to vector<16xf32>
        %mul3A_424 = arith.mulf %get3A_419, %get3A_423 : vector<16xf32>
        %add3A_425 = arith.addf %add3A_379, %mul3A_424 : vector<16xf32>
        %get3A_426 = arith.index_cast %squeeze3A_391 : i32 to index
        %get3A_427 = arith.constant 48 : index
        %get3A_428 = tpu.vector_load %arg8[%get3A_426, %get3A_427] {strides = array<i32>} : memref<256x64xf32, #tpu.memory_space<vmem>>, vector<1x16xf32>,
        %get3A_429 = vector.shape_cast %get3A_428 : vector<1x16xf32> to vector<16xf32>
        %get3A_430 = arith.index_cast %add3A_395 : i32 to index
        %get3A_431 = arith.constant 48 : index
        %get3A_432 = tpu.vector_load %arg7[%get3A_430, %get3A_431] {strides = array<i32>} : memref<784x64xf32, #tpu.memory_space<vmem>>, vector<1x16xf32>,
        %get3A_433 = vector.shape_cast %get3A_432 : vector<1x16xf32> to vector<16xf32>
        %mul3A_434 = arith.mulf %get3A_429, %get3A_433 : vector<16xf32>
        %add3A_435 = arith.addf %add3A_389, %mul3A_434 : vector<16xf32>
        %slice3A_436 = vector.extract_strided_slice %convert_element_type3A {offsets = [8], sizes = [1], strides = [1]} : vector<16xi32> to vector<1xi32>
        %squeeze3A_437 = vector.extract %slice3A_436[0] : i32 from vector<1xi32>
        %mul3A_438 = arith.constant 16 : i32
        %mul3A_439 = arith.muli %scan3A_48, %mul3A_438 : i32
        %add3A_440 = arith.constant 8 : i32
        %add3A_441 = arith.addi %mul3A_439, %add3A_440 : i32
        %get3A_442 = arith.index_cast %squeeze3A_437 : i32 to index
        %get3A_443 = arith.constant 0 : index
        %get3A_444 = tpu.vector_load %arg8[%get3A_442, %get3A_443] {strides = array<i32>} : memref<256x64xf32, #tpu.memory_space<vmem>>, vector<1x16xf32>,
        %get3A_445 = vector.shape_cast %get3A_444 : vector<1x16xf32> to vector<16xf32>
        %get3A_446 = arith.index_cast %add3A_441 : i32 to index
        %get3A_447 = arith.constant 0 : index
        %get3A_448 = tpu.vector_load %arg7[%get3A_446, %get3A_447] {strides = array<i32>} : memref<784x64xf32, #tpu.memory_space<vmem>>, vector<1x16xf32>,
        %get3A_449 = vector.shape_cast %get3A_448 : vector<1x16xf32> to vector<16xf32>
        %mul3A_450 = arith.mulf %get3A_445, %get3A_449 : vector<16xf32>
        %add3A_451 = arith.addf %add3A_405, %mul3A_450 : vector<16xf32>
        %get3A_452 = arith.index_cast %squeeze3A_437 : i32 to index
        %get3A_453 = arith.constant 16 : index
        %get3A_454 = tpu.vector_load %arg8[%get3A_452, %get3A_453] {strides = array<i32>} : memref<256x64xf32, #tpu.memory_space<vmem>>, vector<1x16xf32>,
        %get3A_455 = vector.shape_cast %get3A_454 : vector<1x16xf32> to vector<16xf32>
        %get3A_456 = arith.index_cast %add3A_441 : i32 to index
        %get3A_457 = arith.constant 16 : index
        %get3A_458 = tpu.vector_load %arg7[%get3A_456, %get3A_457] {strides = array<i32>} : memref<784x64xf32, #tpu.memory_space<vmem>>, vector<1x16xf32>,
        %get3A_459 = vector.shape_cast %get3A_458 : vector<1x16xf32> to vector<16xf32>
        %mul3A_460 = arith.mulf %get3A_455, %get3A_459 : vector<16xf32>
        %add3A_461 = arith.addf %add3A_415, %mul3A_460 : vector<16xf32>
        %get3A_462 = arith.index_cast %squeeze3A_437 : i32 to index
        %get3A_463 = arith.constant 32 : index
        %get3A_464 = tpu.vector_load %arg8[%get3A_462, %get3A_463] {strides = array<i32>} : memref<256x64xf32, #tpu.memory_space<vmem>>, vector<1x16xf32>,
        %get3A_465 = vector.shape_cast %get3A_464 : vector<1x16xf32> to vector<16xf32>
        %get3A_466 = arith.index_cast %add3A_441 : i32 to index
        %get3A_467 = arith.constant 32 : index
        %get3A_468 = tpu.vector_load %arg7[%get3A_466, %get3A_467] {strides = array<i32>} : memref<784x64xf32, #tpu.memory_space<vmem>>, vector<1x16xf32>,
        %get3A_469 = vector.shape_cast %get3A_468 : vector<1x16xf32> to vector<16xf32>
        %mul3A_470 = arith.mulf %get3A_465, %get3A_469 : vector<16xf32>
        %add3A_471 = arith.addf %add3A_425, %mul3A_470 : vector<16xf32>
        %get3A_472 = arith.index_cast %squeeze3A_437 : i32 to index
        %get3A_473 = arith.constant 48 : index
        %get3A_474 = tpu.vector_load %arg8[%get3A_472, %get3A_473] {strides = array<i32>} : memref<256x64xf32, #tpu.memory_space<vmem>>, vector<1x16xf32>,
        %get3A_475 = vector.shape_cast %get3A_474 : vector<1x16xf32> to vector<16xf32>
        %get3A_476 = arith.index_cast %add3A_441 : i32 to index
        %get3A_477 = arith.constant 48 : index
        %get3A_478 = tpu.vector_load %arg7[%get3A_476, %get3A_477] {strides = array<i32>} : memref<784x64xf32, #tpu.memory_space<vmem>>, vector<1x16xf32>,
        %get3A_479 = vector.shape_cast %get3A_478 : vector<1x16xf32> to vector<16xf32>
        %mul3A_480 = arith.mulf %get3A_475, %get3A_479 : vector<16xf32>
        %add3A_481 = arith.addf %add3A_435, %mul3A_480 : vector<16xf32>
        %slice3A_482 = vector.extract_strided_slice %convert_element_type3A {offsets = [9], sizes = [1], strides = [1]} : vector<16xi32> to vector<1xi32>
        %squeeze3A_483 = vector.extract %slice3A_482[0] : i32 from vector<1xi32>
        %mul3A_484 = arith.constant 16 : i32
        %mul3A_485 = arith.muli %scan3A_48, %mul3A_484 : i32
        %add3A_486 = arith.constant 9 : i32
        %add3A_487 = arith.addi %mul3A_485, %add3A_486 : i32
        %get3A_488 = arith.index_cast %squeeze3A_483 : i32 to index
        %get3A_489 = arith.constant 0 : index
        %get3A_490 = tpu.vector_load %arg8[%get3A_488, %get3A_489] {strides = array<i32>} : memref<256x64xf32, #tpu.memory_space<vmem>>, vector<1x16xf32>,
        %get3A_491 = vector.shape_cast %get3A_490 : vector<1x16xf32> to vector<16xf32>
        %get3A_492 = arith.index_cast %add3A_487 : i32 to index
        %get3A_493 = arith.constant 0 : index
        %get3A_494 = tpu.vector_load %arg7[%get3A_492, %get3A_493] {strides = array<i32>} : memref<784x64xf32, #tpu.memory_space<vmem>>, vector<1x16xf32>,
        %get3A_495 = vector.shape_cast %get3A_494 : vector<1x16xf32> to vector<16xf32>
        %mul3A_496 = arith.mulf %get3A_491, %get3A_495 : vector<16xf32>
        %add3A_497 = arith.addf %add3A_451, %mul3A_496 : vector<16xf32>
        %get3A_498 = arith.index_cast %squeeze3A_483 : i32 to index
        %get3A_499 = arith.constant 16 : index
        %get3A_500 = tpu.vector_load %arg8[%get3A_498, %get3A_499] {strides = array<i32>} : memref<256x64xf32, #tpu.memory_space<vmem>>, vector<1x16xf32>,
        %get3A_501 = vector.shape_cast %get3A_500 : vector<1x16xf32> to vector<16xf32>
        %get3A_502 = arith.index_cast %add3A_487 : i32 to index
        %get3A_503 = arith.constant 16 : index
        %get3A_504 = tpu.vector_load %arg7[%get3A_502, %get3A_503] {strides = array<i32>} : memref<784x64xf32, #tpu.memory_space<vmem>>, vector<1x16xf32>,
        %get3A_505 = vector.shape_cast %get3A_504 : vector<1x16xf32> to vector<16xf32>
        %mul3A_506 = arith.mulf %get3A_501, %get3A_505 : vector<16xf32>
        %add3A_507 = arith.addf %add3A_461, %mul3A_506 : vector<16xf32>
        %get3A_508 = arith.index_cast %squeeze3A_483 : i32 to index
        %get3A_509 = arith.constant 32 : index
        %get3A_510 = tpu.vector_load %arg8[%get3A_508, %get3A_509] {strides = array<i32>} : memref<256x64xf32, #tpu.memory_space<vmem>>, vector<1x16xf32>,
        %get3A_511 = vector.shape_cast %get3A_510 : vector<1x16xf32> to vector<16xf32>
        %get3A_512 = arith.index_cast %add3A_487 : i32 to index
        %get3A_513 = arith.constant 32 : index
        %get3A_514 = tpu.vector_load %arg7[%get3A_512, %get3A_513] {strides = array<i32>} : memref<784x64xf32, #tpu.memory_space<vmem>>, vector<1x16xf32>,
        %get3A_515 = vector.shape_cast %get3A_514 : vector<1x16xf32> to vector<16xf32>
        %mul3A_516 = arith.mulf %get3A_511, %get3A_515 : vector<16xf32>
        %add3A_517 = arith.addf %add3A_471, %mul3A_516 : vector<16xf32>
        %get3A_518 = arith.index_cast %squeeze3A_483 : i32 to index
        %get3A_519 = arith.constant 48 : index
        %get3A_520 = tpu.vector_load %arg8[%get3A_518, %get3A_519] {strides = array<i32>} : memref<256x64xf32, #tpu.memory_space<vmem>>, vector<1x16xf32>,
        %get3A_521 = vector.shape_cast %get3A_520 : vector<1x16xf32> to vector<16xf32>
        %get3A_522 = arith.index_cast %add3A_487 : i32 to index
        %get3A_523 = arith.constant 48 : index
        %get3A_524 = tpu.vector_load %arg7[%get3A_522, %get3A_523] {strides = array<i32>} : memref<784x64xf32, #tpu.memory_space<vmem>>, vector<1x16xf32>,
        %get3A_525 = vector.shape_cast %get3A_524 : vector<1x16xf32> to vector<16xf32>
        %mul3A_526 = arith.mulf %get3A_521, %get3A_525 : vector<16xf32>
        %add3A_527 = arith.addf %add3A_481, %mul3A_526 : vector<16xf32>
        %slice3A_528 = vector.extract_strided_slice %convert_element_type3A {offsets = [10], sizes = [1], strides = [1]} : vector<16xi32> to vector<1xi32>
        %squeeze3A_529 = vector.extract %slice3A_528[0] : i32 from vector<1xi32>
        %mul3A_530 = arith.constant 16 : i32
        %mul3A_531 = arith.muli %scan3A_48, %mul3A_530 : i32
        %add3A_532 = arith.constant 10 : i32
        %add3A_533 = arith.addi %mul3A_531, %add3A_532 : i32
        %get3A_534 = arith.index_cast %squeeze3A_529 : i32 to index
        %get3A_535 = arith.constant 0 : index
        %get3A_536 = tpu.vector_load %arg8[%get3A_534, %get3A_535] {strides = array<i32>} : memref<256x64xf32, #tpu.memory_space<vmem>>, vector<1x16xf32>,
        %get3A_537 = vector.shape_cast %get3A_536 : vector<1x16xf32> to vector<16xf32>
        %get3A_538 = arith.index_cast %add3A_533 : i32 to index
        %get3A_539 = arith.constant 0 : index
        %get3A_540 = tpu.vector_load %arg7[%get3A_538, %get3A_539] {strides = array<i32>} : memref<784x64xf32, #tpu.memory_space<vmem>>, vector<1x16xf32>,
        %get3A_541 = vector.shape_cast %get3A_540 : vector<1x16xf32> to vector<16xf32>
        %mul3A_542 = arith.mulf %get3A_537, %get3A_541 : vector<16xf32>
        %add3A_543 = arith.addf %add3A_497, %mul3A_542 : vector<16xf32>
        %get3A_544 = arith.index_cast %squeeze3A_529 : i32 to index
        %get3A_545 = arith.constant 16 : index
        %get3A_546 = tpu.vector_load %arg8[%get3A_544, %get3A_545] {strides = array<i32>} : memref<256x64xf32, #tpu.memory_space<vmem>>, vector<1x16xf32>,
        %get3A_547 = vector.shape_cast %get3A_546 : vector<1x16xf32> to vector<16xf32>
        %get3A_548 = arith.index_cast %add3A_533 : i32 to index
        %get3A_549 = arith.constant 16 : index
        %get3A_550 = tpu.vector_load %arg7[%get3A_548, %get3A_549] {strides = array<i32>} : memref<784x64xf32, #tpu.memory_space<vmem>>, vector<1x16xf32>,
        %get3A_551 = vector.shape_cast %get3A_550 : vector<1x16xf32> to vector<16xf32>
        %mul3A_552 = arith.mulf %get3A_547, %get3A_551 : vector<16xf32>
        %add3A_553 = arith.addf %add3A_507, %mul3A_552 : vector<16xf32>
        %get3A_554 = arith.index_cast %squeeze3A_529 : i32 to index
        %get3A_555 = arith.constant 32 : index
        %get3A_556 = tpu.vector_load %arg8[%get3A_554, %get3A_555] {strides = array<i32>} : memref<256x64xf32, #tpu.memory_space<vmem>>, vector<1x16xf32>,
        %get3A_557 = vector.shape_cast %get3A_556 : vector<1x16xf32> to vector<16xf32>
        %get3A_558 = arith.index_cast %add3A_533 : i32 to index
        %get3A_559 = arith.constant 32 : index
        %get3A_560 = tpu.vector_load %arg7[%get3A_558, %get3A_559] {strides = array<i32>} : memref<784x64xf32, #tpu.memory_space<vmem>>, vector<1x16xf32>,
        %get3A_561 = vector.shape_cast %get3A_560 : vector<1x16xf32> to vector<16xf32>
        %mul3A_562 = arith.mulf %get3A_557, %get3A_561 : vector<16xf32>
        %add3A_563 = arith.addf %add3A_517, %mul3A_562 : vector<16xf32>
        %get3A_564 = arith.index_cast %squeeze3A_529 : i32 to index
        %get3A_565 = arith.constant 48 : index
        %get3A_566 = tpu.vector_load %arg8[%get3A_564, %get3A_565] {strides = array<i32>} : memref<256x64xf32, #tpu.memory_space<vmem>>, vector<1x16xf32>,
        %get3A_567 = vector.shape_cast %get3A_566 : vector<1x16xf32> to vector<16xf32>
        %get3A_568 = arith.index_cast %add3A_533 : i32 to index
        %get3A_569 = arith.constant 48 : index
        %get3A_570 = tpu.vector_load %arg7[%get3A_568, %get3A_569] {strides = array<i32>} : memref<784x64xf32, #tpu.memory_space<vmem>>, vector<1x16xf32>,
        %get3A_571 = vector.shape_cast %get3A_570 : vector<1x16xf32> to vector<16xf32>
        %mul3A_572 = arith.mulf %get3A_567, %get3A_571 : vector<16xf32>
        %add3A_573 = arith.addf %add3A_527, %mul3A_572 : vector<16xf32>
        %slice3A_574 = vector.extract_strided_slice %convert_element_type3A {offsets = [11], sizes = [1], strides = [1]} : vector<16xi32> to vector<1xi32>
        %squeeze3A_575 = vector.extract %slice3A_574[0] : i32 from vector<1xi32>
        %mul3A_576 = arith.constant 16 : i32
        %mul3A_577 = arith.muli %scan3A_48, %mul3A_576 : i32
        %add3A_578 = arith.constant 11 : i32
        %add3A_579 = arith.addi %mul3A_577, %add3A_578 : i32
        %get3A_580 = arith.index_cast %squeeze3A_575 : i32 to index
        %get3A_581 = arith.constant 0 : index
        %get3A_582 = tpu.vector_load %arg8[%get3A_580, %get3A_581] {strides = array<i32>} : memref<256x64xf32, #tpu.memory_space<vmem>>, vector<1x16xf32>,
        %get3A_583 = vector.shape_cast %get3A_582 : vector<1x16xf32> to vector<16xf32>
        %get3A_584 = arith.index_cast %add3A_579 : i32 to index
        %get3A_585 = arith.constant 0 : index
        %get3A_586 = tpu.vector_load %arg7[%get3A_584, %get3A_585] {strides = array<i32>} : memref<784x64xf32, #tpu.memory_space<vmem>>, vector<1x16xf32>,
        %get3A_587 = vector.shape_cast %get3A_586 : vector<1x16xf32> to vector<16xf32>
        %mul3A_588 = arith.mulf %get3A_583, %get3A_587 : vector<16xf32>
        %add3A_589 = arith.addf %add3A_543, %mul3A_588 : vector<16xf32>
        %get3A_590 = arith.index_cast %squeeze3A_575 : i32 to index
        %get3A_591 = arith.constant 16 : index
        %get3A_592 = tpu.vector_load %arg8[%get3A_590, %get3A_591] {strides = array<i32>} : memref<256x64xf32, #tpu.memory_space<vmem>>, vector<1x16xf32>,
        %get3A_593 = vector.shape_cast %get3A_592 : vector<1x16xf32> to vector<16xf32>
        %get3A_594 = arith.index_cast %add3A_579 : i32 to index
        %get3A_595 = arith.constant 16 : index
        %get3A_596 = tpu.vector_load %arg7[%get3A_594, %get3A_595] {strides = array<i32>} : memref<784x64xf32, #tpu.memory_space<vmem>>, vector<1x16xf32>,
        %get3A_597 = vector.shape_cast %get3A_596 : vector<1x16xf32> to vector<16xf32>
        %mul3A_598 = arith.mulf %get3A_593, %get3A_597 : vector<16xf32>
        %add3A_599 = arith.addf %add3A_553, %mul3A_598 : vector<16xf32>
        %get3A_600 = arith.index_cast %squeeze3A_575 : i32 to index
        %get3A_601 = arith.constant 32 : index
        %get3A_602 = tpu.vector_load %arg8[%get3A_600, %get3A_601] {strides = array<i32>} : memref<256x64xf32, #tpu.memory_space<vmem>>, vector<1x16xf32>,
        %get3A_603 = vector.shape_cast %get3A_602 : vector<1x16xf32> to vector<16xf32>
        %get3A_604 = arith.index_cast %add3A_579 : i32 to index
        %get3A_605 = arith.constant 32 : index
        %get3A_606 = tpu.vector_load %arg7[%get3A_604, %get3A_605] {strides = array<i32>} : memref<784x64xf32, #tpu.memory_space<vmem>>, vector<1x16xf32>,
        %get3A_607 = vector.shape_cast %get3A_606 : vector<1x16xf32> to vector<16xf32>
        %mul3A_608 = arith.mulf %get3A_603, %get3A_607 : vector<16xf32>
        %add3A_609 = arith.addf %add3A_563, %mul3A_608 : vector<16xf32>
        %get3A_610 = arith.index_cast %squeeze3A_575 : i32 to index
        %get3A_611 = arith.constant 48 : index
        %get3A_612 = tpu.vector_load %arg8[%get3A_610, %get3A_611] {strides = array<i32>} : memref<256x64xf32, #tpu.memory_space<vmem>>, vector<1x16xf32>,
        %get3A_613 = vector.shape_cast %get3A_612 : vector<1x16xf32> to vector<16xf32>
        %get3A_614 = arith.index_cast %add3A_579 : i32 to index
        %get3A_615 = arith.constant 48 : index
        %get3A_616 = tpu.vector_load %arg7[%get3A_614, %get3A_615] {strides = array<i32>} : memref<784x64xf32, #tpu.memory_space<vmem>>, vector<1x16xf32>,
        %get3A_617 = vector.shape_cast %get3A_616 : vector<1x16xf32> to vector<16xf32>
        %mul3A_618 = arith.mulf %get3A_613, %get3A_617 : vector<16xf32>
        %add3A_619 = arith.addf %add3A_573, %mul3A_618 : vector<16xf32>
        %slice3A_620 = vector.extract_strided_slice %convert_element_type3A {offsets = [12], sizes = [1], strides = [1]} : vector<16xi32> to vector<1xi32>
        %squeeze3A_621 = vector.extract %slice3A_620[0] : i32 from vector<1xi32>
        %mul3A_622 = arith.constant 16 : i32
        %mul3A_623 = arith.muli %scan3A_48, %mul3A_622 : i32
        %add3A_624 = arith.constant 12 : i32
        %add3A_625 = arith.addi %mul3A_623, %add3A_624 : i32
        %get3A_626 = arith.index_cast %squeeze3A_621 : i32 to index
        %get3A_627 = arith.constant 0 : index
        %get3A_628 = tpu.vector_load %arg8[%get3A_626, %get3A_627] {strides = array<i32>} : memref<256x64xf32, #tpu.memory_space<vmem>>, vector<1x16xf32>,
        %get3A_629 = vector.shape_cast %get3A_628 : vector<1x16xf32> to vector<16xf32>
        %get3A_630 = arith.index_cast %add3A_625 : i32 to index
        %get3A_631 = arith.constant 0 : index
        %get3A_632 = tpu.vector_load %arg7[%get3A_630, %get3A_631] {strides = array<i32>} : memref<784x64xf32, #tpu.memory_space<vmem>>, vector<1x16xf32>,
        %get3A_633 = vector.shape_cast %get3A_632 : vector<1x16xf32> to vector<16xf32>
        %mul3A_634 = arith.mulf %get3A_629, %get3A_633 : vector<16xf32>
        %add3A_635 = arith.addf %add3A_589, %mul3A_634 : vector<16xf32>
        %get3A_636 = arith.index_cast %squeeze3A_621 : i32 to index
        %get3A_637 = arith.constant 16 : index
        %get3A_638 = tpu.vector_load %arg8[%get3A_636, %get3A_637] {strides = array<i32>} : memref<256x64xf32, #tpu.memory_space<vmem>>, vector<1x16xf32>,
        %get3A_639 = vector.shape_cast %get3A_638 : vector<1x16xf32> to vector<16xf32>
        %get3A_640 = arith.index_cast %add3A_625 : i32 to index
        %get3A_641 = arith.constant 16 : index
        %get3A_642 = tpu.vector_load %arg7[%get3A_640, %get3A_641] {strides = array<i32>} : memref<784x64xf32, #tpu.memory_space<vmem>>, vector<1x16xf32>,
        %get3A_643 = vector.shape_cast %get3A_642 : vector<1x16xf32> to vector<16xf32>
        %mul3A_644 = arith.mulf %get3A_639, %get3A_643 : vector<16xf32>
        %add3A_645 = arith.addf %add3A_599, %mul3A_644 : vector<16xf32>
        %get3A_646 = arith.index_cast %squeeze3A_621 : i32 to index
        %get3A_647 = arith.constant 32 : index
        %get3A_648 = tpu.vector_load %arg8[%get3A_646, %get3A_647] {strides = array<i32>} : memref<256x64xf32, #tpu.memory_space<vmem>>, vector<1x16xf32>,
        %get3A_649 = vector.shape_cast %get3A_648 : vector<1x16xf32> to vector<16xf32>
        %get3A_650 = arith.index_cast %add3A_625 : i32 to index
        %get3A_651 = arith.constant 32 : index
        %get3A_652 = tpu.vector_load %arg7[%get3A_650, %get3A_651] {strides = array<i32>} : memref<784x64xf32, #tpu.memory_space<vmem>>, vector<1x16xf32>,
        %get3A_653 = vector.shape_cast %get3A_652 : vector<1x16xf32> to vector<16xf32>
        %mul3A_654 = arith.mulf %get3A_649, %get3A_653 : vector<16xf32>
        %add3A_655 = arith.addf %add3A_609, %mul3A_654 : vector<16xf32>
        %get3A_656 = arith.index_cast %squeeze3A_621 : i32 to index
        %get3A_657 = arith.constant 48 : index
        %get3A_658 = tpu.vector_load %arg8[%get3A_656, %get3A_657] {strides = array<i32>} : memref<256x64xf32, #tpu.memory_space<vmem>>, vector<1x16xf32>,
        %get3A_659 = vector.shape_cast %get3A_658 : vector<1x16xf32> to vector<16xf32>
        %get3A_660 = arith.index_cast %add3A_625 : i32 to index
        %get3A_661 = arith.constant 48 : index
        %get3A_662 = tpu.vector_load %arg7[%get3A_660, %get3A_661] {strides = array<i32>} : memref<784x64xf32, #tpu.memory_space<vmem>>, vector<1x16xf32>,
        %get3A_663 = vector.shape_cast %get3A_662 : vector<1x16xf32> to vector<16xf32>
        %mul3A_664 = arith.mulf %get3A_659, %get3A_663 : vector<16xf32>
        %add3A_665 = arith.addf %add3A_619, %mul3A_664 : vector<16xf32>
        %slice3A_666 = vector.extract_strided_slice %convert_element_type3A {offsets = [13], sizes = [1], strides = [1]} : vector<16xi32> to vector<1xi32>
        %squeeze3A_667 = vector.extract %slice3A_666[0] : i32 from vector<1xi32>
        %mul3A_668 = arith.constant 16 : i32
        %mul3A_669 = arith.muli %scan3A_48, %mul3A_668 : i32
        %add3A_670 = arith.constant 13 : i32
        %add3A_671 = arith.addi %mul3A_669, %add3A_670 : i32
        %get3A_672 = arith.index_cast %squeeze3A_667 : i32 to index
        %get3A_673 = arith.constant 0 : index
        %get3A_674 = tpu.vector_load %arg8[%get3A_672, %get3A_673] {strides = array<i32>} : memref<256x64xf32, #tpu.memory_space<vmem>>, vector<1x16xf32>,
        %get3A_675 = vector.shape_cast %get3A_674 : vector<1x16xf32> to vector<16xf32>
        %get3A_676 = arith.index_cast %add3A_671 : i32 to index
        %get3A_677 = arith.constant 0 : index
        %get3A_678 = tpu.vector_load %arg7[%get3A_676, %get3A_677] {strides = array<i32>} : memref<784x64xf32, #tpu.memory_space<vmem>>, vector<1x16xf32>,
        %get3A_679 = vector.shape_cast %get3A_678 : vector<1x16xf32> to vector<16xf32>
        %mul3A_680 = arith.mulf %get3A_675, %get3A_679 : vector<16xf32>
        %add3A_681 = arith.addf %add3A_635, %mul3A_680 : vector<16xf32>
        %get3A_682 = arith.index_cast %squeeze3A_667 : i32 to index
        %get3A_683 = arith.constant 16 : index
        %get3A_684 = tpu.vector_load %arg8[%get3A_682, %get3A_683] {strides = array<i32>} : memref<256x64xf32, #tpu.memory_space<vmem>>, vector<1x16xf32>,
        %get3A_685 = vector.shape_cast %get3A_684 : vector<1x16xf32> to vector<16xf32>
        %get3A_686 = arith.index_cast %add3A_671 : i32 to index
        %get3A_687 = arith.constant 16 : index
        %get3A_688 = tpu.vector_load %arg7[%get3A_686, %get3A_687] {strides = array<i32>} : memref<784x64xf32, #tpu.memory_space<vmem>>, vector<1x16xf32>,
        %get3A_689 = vector.shape_cast %get3A_688 : vector<1x16xf32> to vector<16xf32>
        %mul3A_690 = arith.mulf %get3A_685, %get3A_689 : vector<16xf32>
        %add3A_691 = arith.addf %add3A_645, %mul3A_690 : vector<16xf32>
        %get3A_692 = arith.index_cast %squeeze3A_667 : i32 to index
        %get3A_693 = arith.constant 32 : index
        %get3A_694 = tpu.vector_load %arg8[%get3A_692, %get3A_693] {strides = array<i32>} : memref<256x64xf32, #tpu.memory_space<vmem>>, vector<1x16xf32>,
        %get3A_695 = vector.shape_cast %get3A_694 : vector<1x16xf32> to vector<16xf32>
        %get3A_696 = arith.index_cast %add3A_671 : i32 to index
        %get3A_697 = arith.constant 32 : index
        %get3A_698 = tpu.vector_load %arg7[%get3A_696, %get3A_697] {strides = array<i32>} : memref<784x64xf32, #tpu.memory_space<vmem>>, vector<1x16xf32>,
        %get3A_699 = vector.shape_cast %get3A_698 : vector<1x16xf32> to vector<16xf32>
        %mul3A_700 = arith.mulf %get3A_695, %get3A_699 : vector<16xf32>
        %add3A_701 = arith.addf %add3A_655, %mul3A_700 : vector<16xf32>
        %get3A_702 = arith.index_cast %squeeze3A_667 : i32 to index
        %get3A_703 = arith.constant 48 : index
        %get3A_704 = tpu.vector_load %arg8[%get3A_702, %get3A_703] {strides = array<i32>} : memref<256x64xf32, #tpu.memory_space<vmem>>, vector<1x16xf32>,
        %get3A_705 = vector.shape_cast %get3A_704 : vector<1x16xf32> to vector<16xf32>
        %get3A_706 = arith.index_cast %add3A_671 : i32 to index
        %get3A_707 = arith.constant 48 : index
        %get3A_708 = tpu.vector_load %arg7[%get3A_706, %get3A_707] {strides = array<i32>} : memref<784x64xf32, #tpu.memory_space<vmem>>, vector<1x16xf32>,
        %get3A_709 = vector.shape_cast %get3A_708 : vector<1x16xf32> to vector<16xf32>
        %mul3A_710 = arith.mulf %get3A_705, %get3A_709 : vector<16xf32>
        %add3A_711 = arith.addf %add3A_665, %mul3A_710 : vector<16xf32>
        %slice3A_712 = vector.extract_strided_slice %convert_element_type3A {offsets = [14], sizes = [1], strides = [1]} : vector<16xi32> to vector<1xi32>
        %squeeze3A_713 = vector.extract %slice3A_712[0] : i32 from vector<1xi32>
        %mul3A_714 = arith.constant 16 : i32
        %mul3A_715 = arith.muli %scan3A_48, %mul3A_714 : i32
        %add3A_716 = arith.constant 14 : i32
        %add3A_717 = arith.addi %mul3A_715, %add3A_716 : i32
        %get3A_718 = arith.index_cast %squeeze3A_713 : i32 to index
        %get3A_719 = arith.constant 0 : index
        %get3A_720 = tpu.vector_load %arg8[%get3A_718, %get3A_719] {strides = array<i32>} : memref<256x64xf32, #tpu.memory_space<vmem>>, vector<1x16xf32>,
        %get3A_721 = vector.shape_cast %get3A_720 : vector<1x16xf32> to vector<16xf32>
        %get3A_722 = arith.index_cast %add3A_717 : i32 to index
        %get3A_723 = arith.constant 0 : index
        %get3A_724 = tpu.vector_load %arg7[%get3A_722, %get3A_723] {strides = array<i32>} : memref<784x64xf32, #tpu.memory_space<vmem>>, vector<1x16xf32>,
        %get3A_725 = vector.shape_cast %get3A_724 : vector<1x16xf32> to vector<16xf32>
        %mul3A_726 = arith.mulf %get3A_721, %get3A_725 : vector<16xf32>
        %add3A_727 = arith.addf %add3A_681, %mul3A_726 : vector<16xf32>
        %get3A_728 = arith.index_cast %squeeze3A_713 : i32 to index
        %get3A_729 = arith.constant 16 : index
        %get3A_730 = tpu.vector_load %arg8[%get3A_728, %get3A_729] {strides = array<i32>} : memref<256x64xf32, #tpu.memory_space<vmem>>, vector<1x16xf32>,
        %get3A_731 = vector.shape_cast %get3A_730 : vector<1x16xf32> to vector<16xf32>
        %get3A_732 = arith.index_cast %add3A_717 : i32 to index
        %get3A_733 = arith.constant 16 : index
        %get3A_734 = tpu.vector_load %arg7[%get3A_732, %get3A_733] {strides = array<i32>} : memref<784x64xf32, #tpu.memory_space<vmem>>, vector<1x16xf32>,
        %get3A_735 = vector.shape_cast %get3A_734 : vector<1x16xf32> to vector<16xf32>
        %mul3A_736 = arith.mulf %get3A_731, %get3A_735 : vector<16xf32>
        %add3A_737 = arith.addf %add3A_691, %mul3A_736 : vector<16xf32>
        %get3A_738 = arith.index_cast %squeeze3A_713 : i32 to index
        %get3A_739 = arith.constant 32 : index
        %get3A_740 = tpu.vector_load %arg8[%get3A_738, %get3A_739] {strides = array<i32>} : memref<256x64xf32, #tpu.memory_space<vmem>>, vector<1x16xf32>,
        %get3A_741 = vector.shape_cast %get3A_740 : vector<1x16xf32> to vector<16xf32>
        %get3A_742 = arith.index_cast %add3A_717 : i32 to index
        %get3A_743 = arith.constant 32 : index
        %get3A_744 = tpu.vector_load %arg7[%get3A_742, %get3A_743] {strides = array<i32>} : memref<784x64xf32, #tpu.memory_space<vmem>>, vector<1x16xf32>,
        %get3A_745 = vector.shape_cast %get3A_744 : vector<1x16xf32> to vector<16xf32>
        %mul3A_746 = arith.mulf %get3A_741, %get3A_745 : vector<16xf32>
        %add3A_747 = arith.addf %add3A_701, %mul3A_746 : vector<16xf32>
        %get3A_748 = arith.index_cast %squeeze3A_713 : i32 to index
        %get3A_749 = arith.constant 48 : index
        %get3A_750 = tpu.vector_load %arg8[%get3A_748, %get3A_749] {strides = array<i32>} : memref<256x64xf32, #tpu.memory_space<vmem>>, vector<1x16xf32>,
        %get3A_751 = vector.shape_cast %get3A_750 : vector<1x16xf32> to vector<16xf32>
        %get3A_752 = arith.index_cast %add3A_717 : i32 to index
        %get3A_753 = arith.constant 48 : index
        %get3A_754 = tpu.vector_load %arg7[%get3A_752, %get3A_753] {strides = array<i32>} : memref<784x64xf32, #tpu.memory_space<vmem>>, vector<1x16xf32>,
        %get3A_755 = vector.shape_cast %get3A_754 : vector<1x16xf32> to vector<16xf32>
        %mul3A_756 = arith.mulf %get3A_751, %get3A_755 : vector<16xf32>
        %add3A_757 = arith.addf %add3A_711, %mul3A_756 : vector<16xf32>
        %slice3A_758 = vector.extract_strided_slice %convert_element_type3A {offsets = [15], sizes = [1], strides = [1]} : vector<16xi32> to vector<1xi32>
        %squeeze3A_759 = vector.extract %slice3A_758[0] : i32 from vector<1xi32>
        %mul3A_760 = arith.constant 16 : i32
        %mul3A_761 = arith.muli %scan3A_48, %mul3A_760 : i32
        %add3A_762 = arith.constant 15 : i32
        %add3A_763 = arith.addi %mul3A_761, %add3A_762 : i32
        %get3A_764 = arith.index_cast %squeeze3A_759 : i32 to index
        %get3A_765 = arith.constant 0 : index
        %get3A_766 = tpu.vector_load %arg8[%get3A_764, %get3A_765] {strides = array<i32>} : memref<256x64xf32, #tpu.memory_space<vmem>>, vector<1x16xf32>,
        %get3A_767 = vector.shape_cast %get3A_766 : vector<1x16xf32> to vector<16xf32>
        %get3A_768 = arith.index_cast %add3A_763 : i32 to index
        %get3A_769 = arith.constant 0 : index
        %get3A_770 = tpu.vector_load %arg7[%get3A_768, %get3A_769] {strides = array<i32>} : memref<784x64xf32, #tpu.memory_space<vmem>>, vector<1x16xf32>,
        %get3A_771 = vector.shape_cast %get3A_770 : vector<1x16xf32> to vector<16xf32>
        %mul3A_772 = arith.mulf %get3A_767, %get3A_771 : vector<16xf32>
        %add3A_773 = arith.addf %add3A_727, %mul3A_772 : vector<16xf32>
        %get3A_774 = arith.index_cast %squeeze3A_759 : i32 to index
        %get3A_775 = arith.constant 16 : index
        %get3A_776 = tpu.vector_load %arg8[%get3A_774, %get3A_775] {strides = array<i32>} : memref<256x64xf32, #tpu.memory_space<vmem>>, vector<1x16xf32>,
        %get3A_777 = vector.shape_cast %get3A_776 : vector<1x16xf32> to vector<16xf32>
        %get3A_778 = arith.index_cast %add3A_763 : i32 to index
        %get3A_779 = arith.constant 16 : index
        %get3A_780 = tpu.vector_load %arg7[%get3A_778, %get3A_779] {strides = array<i32>} : memref<784x64xf32, #tpu.memory_space<vmem>>, vector<1x16xf32>,
        %get3A_781 = vector.shape_cast %get3A_780 : vector<1x16xf32> to vector<16xf32>
        %mul3A_782 = arith.mulf %get3A_777, %get3A_781 : vector<16xf32>
        %add3A_783 = arith.addf %add3A_737, %mul3A_782 : vector<16xf32>
        %get3A_784 = arith.index_cast %squeeze3A_759 : i32 to index
        %get3A_785 = arith.constant 32 : index
        %get3A_786 = tpu.vector_load %arg8[%get3A_784, %get3A_785] {strides = array<i32>} : memref<256x64xf32, #tpu.memory_space<vmem>>, vector<1x16xf32>,
        %get3A_787 = vector.shape_cast %get3A_786 : vector<1x16xf32> to vector<16xf32>
        %get3A_788 = arith.index_cast %add3A_763 : i32 to index
        %get3A_789 = arith.constant 32 : index
        %get3A_790 = tpu.vector_load %arg7[%get3A_788, %get3A_789] {strides = array<i32>} : memref<784x64xf32, #tpu.memory_space<vmem>>, vector<1x16xf32>,
        %get3A_791 = vector.shape_cast %get3A_790 : vector<1x16xf32> to vector<16xf32>
        %mul3A_792 = arith.mulf %get3A_787, %get3A_791 : vector<16xf32>
        %add3A_793 = arith.addf %add3A_747, %mul3A_792 : vector<16xf32>
        %get3A_794 = arith.index_cast %squeeze3A_759 : i32 to index
        %get3A_795 = arith.constant 48 : index
        %get3A_796 = tpu.vector_load %arg8[%get3A_794, %get3A_795] {strides = array<i32>} : memref<256x64xf32, #tpu.memory_space<vmem>>, vector<1x16xf32>,
        %get3A_797 = vector.shape_cast %get3A_796 : vector<1x16xf32> to vector<16xf32>
        %get3A_798 = arith.index_cast %add3A_763 : i32 to index
        %get3A_799 = arith.constant 48 : index
        %get3A_800 = tpu.vector_load %arg7[%get3A_798, %get3A_799] {strides = array<i32>} : memref<784x64xf32, #tpu.memory_space<vmem>>, vector<1x16xf32>,
        %get3A_801 = vector.shape_cast %get3A_800 : vector<1x16xf32> to vector<16xf32>
        %mul3A_802 = arith.mulf %get3A_797, %get3A_801 : vector<16xf32>
        %add3A_803 = arith.addf %add3A_757, %mul3A_802 : vector<16xf32>
        scf.yield %add3A_773, %add3A_783, %add3A_793, %add3A_803 : vector<16xf32>, vector<16xf32>, vector<16xf32>, vector<16xf32>
      }
      %scan3A_28 = arith.constant 49 : i32
      %swap3A = arith.index_cast %scan3A_15 : i32 to index
      %swap3A_29 = arith.constant 0 : index
      %swap3A_30 = tpu.vector_load %arg9[%swap3A, %swap3A_29] {strides = array<i32>} : memref<16x64xf32, #tpu.memory_space<vmem>>, vector<1x16xf32>,
      %swap3A_31 = vector.shape_cast %swap3A_30 : vector<1x16xf32> to vector<16xf32>
      %swap3A_32 = vector.shape_cast %scan3A_27#0 : vector<16xf32> to vector<1x16xf32>
      tpu.vector_store %arg9[%swap3A, %swap3A_29], %swap3A_32 {strides = array<i32>} : memref<16x64xf32, #tpu.memory_space<vmem>>, vector<1x16xf32>,
      %swap3A_33 = arith.index_cast %scan3A_15 : i32 to index
      %swap3A_34 = arith.constant 16 : index
      %swap3A_35 = tpu.vector_load %arg9[%swap3A_33, %swap3A_34] {strides = array<i32>} : memref<16x64xf32, #tpu.memory_space<vmem>>, vector<1x16xf32>,
      %swap3A_36 = vector.shape_cast %swap3A_35 : vector<1x16xf32> to vector<16xf32>
      %swap3A_37 = vector.shape_cast %scan3A_27#1 : vector<16xf32> to vector<1x16xf32>
      tpu.vector_store %arg9[%swap3A_33, %swap3A_34], %swap3A_37 {strides = array<i32>} : memref<16x64xf32, #tpu.memory_space<vmem>>, vector<1x16xf32>,
      %swap3A_38 = arith.index_cast %scan3A_15 : i32 to index
      %swap3A_39 = arith.constant 32 : index
      %swap3A_40 = tpu.vector_load %arg9[%swap3A_38, %swap3A_39] {strides = array<i32>} : memref<16x64xf32, #tpu.memory_space<vmem>>, vector<1x16xf32>,
      %swap3A_41 = vector.shape_cast %swap3A_40 : vector<1x16xf32> to vector<16xf32>
      %swap3A_42 = vector.shape_cast %scan3A_27#2 : vector<16xf32> to vector<1x16xf32>
      tpu.vector_store %arg9[%swap3A_38, %swap3A_39], %swap3A_42 {strides = array<i32>} : memref<16x64xf32, #tpu.memory_space<vmem>>, vector<1x16xf32>,
      %swap3A_43 = arith.index_cast %scan3A_15 : i32 to index
      %swap3A_44 = arith.constant 48 : index
      %swap3A_45 = tpu.vector_load %arg9[%swap3A_43, %swap3A_44] {strides = array<i32>} : memref<16x64xf32, #tpu.memory_space<vmem>>, vector<1x16xf32>,
      %swap3A_46 = vector.shape_cast %swap3A_45 : vector<1x16xf32> to vector<16xf32>
      %swap3A_47 = vector.shape_cast %scan3A_27#3 : vector<16xf32> to vector<1x16xf32>
      tpu.vector_store %arg9[%swap3A_43, %swap3A_44], %swap3A_47 {strides = array<i32>} : memref<16x64xf32, #tpu.memory_space<vmem>>, vector<1x16xf32>,
    }
    %scan3A_11 = arith.constant 16 : i32
    %mul3A_12 = arith.constant 16 : i32
    %mul3A_13 = arith.muli %scan3A_3, %mul3A_12 : i32
    "tpu.region"() ({
      %run_scoped3A = tpu.sem_alloc : memref<!tpu.dma_semaphore, #tpu.memory_space<semaphore_mem>>
      %dma_start3A = tpu.memref_slice %arg5[%mul3A_13, %mul3A_2] : memref<16x2048xf32, #tpu.memory_space<hbm>> -> memref<16x64xf32, #tpu.memory_space<hbm>>
      %dma_start3A_15 = tpu.memref_slice %arg5[%mul3A_13, %mul3A_2] : memref<16x2048xf32, #tpu.memory_space<hbm>> -> memref<16x64xf32, #tpu.memory_space<hbm>>
      tpu.enqueue_dma source(%arg9 : memref<16x64xf32, #tpu.memory_space<vmem>>) target(%dma_start3A_15 : memref<16x64xf32, #tpu.memory_space<hbm>>) target_semaphore(%run_scoped3A : memref<!tpu.dma_semaphore, #tpu.memory_space<semaphore_mem>>)
      %dma_wait3A = tpu.memref_slice %arg5[%mul3A_13, %mul3A_2] : memref<16x2048xf32, #tpu.memory_space<hbm>> -> memref<16x64xf32, #tpu.memory_space<hbm>>
      %dma_wait3A_16 = tpu.memref_slice %arg5[%mul3A_13, %mul3A_2] : memref<16x2048xf32, #tpu.memory_space<hbm>> -> memref<16x64xf32, #tpu.memory_space<hbm>>
      tpu.wait_dma2 semaphore(%run_scoped3A : memref<!tpu.dma_semaphore, #tpu.memory_space<semaphore_mem>>) src(%arg9 : memref<16x64xf32, #tpu.memory_space<vmem>>) dst(%dma_wait3A_16 : memref<16x64xf32, #tpu.memory_space<hbm>>)
      tpu.yield
    }) : () -> ()
    %scan3A_14 = arith.constant 1 : i32
    return
  }
}

module attributes {stable_mosaic.version = 14 : i64} {
  func.func @_hdc_body(%arg0: i32, %arg1: memref<1x8x784xf32, #tpu.memory_space<vmem>>, %arg2: memref<784x2048xbf16, #tpu.memory_space<vmem>>, %arg3: memref<256x2048xf32, #tpu.memory_space<vmem>>, %arg4: memref<10x2048xf32, #tpu.memory_space<vmem>>, %arg5: memref<1x8x10xf32, #tpu.memory_space<vmem>>, %arg6: memref<8x2048xf32, #tpu.memory_space<vmem>>) attributes {dimension_semantics = [#tpu.dimension_semantics<arbitrary>], iteration_bounds = array<i64: 14>, scalar_prefetch = 0 : i64, scratch_operands = 1 : i64, tpu.core_type = #tpu.core_type<tc>, window_params = [{transform_indices = @transform_0, window_bounds = array<i64: 1, 8, 784>}, {pipeline_mode = #tpu.pipeline_mode<synchronous>, transform_indices = @transform_1, window_bounds = array<i64: 784, 2048>}, {pipeline_mode = #tpu.pipeline_mode<synchronous>, transform_indices = @transform_2, window_bounds = array<i64: 256, 2048>}, {pipeline_mode = #tpu.pipeline_mode<synchronous>, transform_indices = @transform_3, window_bounds = array<i64: 10, 2048>}, {transform_indices = @transform_4, window_bounds = array<i64: 1, 8, 10>}]} {
    %get3A = arith.constant 0 : index
    %get3A_0 = arith.constant 0 : index
    %get3A_1 = arith.constant 0 : index
    %get3A_2 = vector.load %arg1[%get3A, %get3A_0, %get3A_1] : memref<1x8x784xf32, #tpu.memory_space<vmem>>, vector<1x8x784xf32>
    %get3A_3 = vector.shape_cast %get3A_2 : vector<1x8x784xf32> to vector<8x784xf32>
    %mul3A = arith.constant 2.550000e+02 : f32
    %mul3A_4 = vector.broadcast %mul3A : f32 to vector<8x784xf32>
    %mul3A_5 = arith.mulf %get3A_3, %mul3A_4 : vector<8x784xf32>
    %round3A = math.roundeven %mul3A_5 : vector<8x784xf32>
    %jit3A = arith.constant 0.000000e+00 : f32
    %jit3A_6 = arith.constant 2.550000e+02 : f32
    %max3A = vector.broadcast %jit3A : f32 to vector<8x784xf32>
    %max3A_7 = arith.maximumf %max3A, %round3A : vector<8x784xf32>
    %min3A = vector.broadcast %jit3A_6 : f32 to vector<8x784xf32>
    %min3A_8 = arith.minimumf %min3A, %max3A_7 : vector<8x784xf32>
    %convert_element_type3A = arith.fptosi %min3A_8 : vector<8x784xf32> to vector<8x784xi32>
    %iota3A = tpu.iota {dimensions = array<i32: 0>} : vector<256x784xi32>
    %get3A_9 = arith.constant 0 : index
    %get3A_10 = arith.constant 0 : index
    %get3A_11 = vector.load %arg2[%get3A_9, %get3A_10] : memref<784x2048xbf16, #tpu.memory_space<vmem>>, vector<784x2048xbf16>
    %get3A_12 = arith.constant 0 : index
    %get3A_13 = arith.constant 0 : index
    %get3A_14 = vector.load %arg3[%get3A_12, %get3A_13] : memref<256x2048xf32, #tpu.memory_space<vmem>>, vector<256x2048xf32>
    %slice3A = vector.extract_strided_slice %convert_element_type3A {offsets = [0, 0], sizes = [1, 784], strides = [1, 1]} : vector<8x784xi32> to vector<1x784xi32>
    %eq3A = vector.broadcast %slice3A : vector<1x784xi32> to vector<256x784xi32>
    %eq3A_15 = arith.cmpi eq, %iota3A, %eq3A : vector<256x784xi32>
    %convert_element_type3A_16 = arith.extui %eq3A_15 : vector<256x784xi1> to vector<256x784xi32>
    %convert_element_type3A_17 = arith.sitofp %convert_element_type3A_16 : vector<256x784xi32> to vector<256x784xf32>
    %convert_element_type3A_18 = arith.truncf %convert_element_type3A_17 : vector<256x784xf32> to vector<256x784xbf16>
    %dot_general3A = arith.constant dense<0.000000e+00> : vector<256x2048xf32>
    %dot_general3A_19 = tpu.matmul %convert_element_type3A_18, %get3A_11, %dot_general3A {dimension_numbers = #tpu.dot_dimension_numbers<[1], [0], [0], [1], [0, 0, 1, 1], [], []>, transpose_lhs_hint = false} : vector<256x784xbf16>, vector<784x2048xbf16>, vector<256x2048xf32> -> vector<256x2048xf32>
    %mul3A_20 = arith.mulf %dot_general3A_19, %get3A_14 : vector<256x2048xf32>
    %reduce_sum3A = arith.constant dense<0.000000e+00> : vector<2048xf32>
    %reduce_sum3A_21 = vector.multi_reduction <add>, %mul3A_20, %reduce_sum3A [0] : vector<256x2048xf32> to vector<2048xf32>
    %broadcast_in_dim3A = vector.shape_cast %reduce_sum3A_21 : vector<2048xf32> to vector<1x2048xf32>
    %swap3A = arith.constant 0 : index
    %swap3A_22 = arith.constant 0 : index
    %swap3A_23 = vector.load %arg6[%swap3A, %swap3A_22] : memref<8x2048xf32, #tpu.memory_space<vmem>>, vector<1x2048xf32>
    tpu.vector_store %arg6[%swap3A, %swap3A_22], %broadcast_in_dim3A {strides = array<i32>} : memref<8x2048xf32, #tpu.memory_space<vmem>>, vector<1x2048xf32>,
    %slice3A_24 = vector.extract_strided_slice %convert_element_type3A {offsets = [1, 0], sizes = [1, 784], strides = [1, 1]} : vector<8x784xi32> to vector<1x784xi32>
    %eq3A_25 = vector.broadcast %slice3A_24 : vector<1x784xi32> to vector<256x784xi32>
    %eq3A_26 = arith.cmpi eq, %iota3A, %eq3A_25 : vector<256x784xi32>
    %convert_element_type3A_27 = arith.extui %eq3A_26 : vector<256x784xi1> to vector<256x784xi32>
    %convert_element_type3A_28 = arith.sitofp %convert_element_type3A_27 : vector<256x784xi32> to vector<256x784xf32>
    %convert_element_type3A_29 = arith.truncf %convert_element_type3A_28 : vector<256x784xf32> to vector<256x784xbf16>
    %dot_general3A_30 = arith.constant dense<0.000000e+00> : vector<256x2048xf32>
    %dot_general3A_31 = tpu.matmul %convert_element_type3A_29, %get3A_11, %dot_general3A_30 {dimension_numbers = #tpu.dot_dimension_numbers<[1], [0], [0], [1], [0, 0, 1, 1], [], []>, transpose_lhs_hint = false} : vector<256x784xbf16>, vector<784x2048xbf16>, vector<256x2048xf32> -> vector<256x2048xf32>
    %mul3A_32 = arith.mulf %dot_general3A_31, %get3A_14 : vector<256x2048xf32>
    %reduce_sum3A_33 = arith.constant dense<0.000000e+00> : vector<2048xf32>
    %reduce_sum3A_34 = vector.multi_reduction <add>, %mul3A_32, %reduce_sum3A_33 [0] : vector<256x2048xf32> to vector<2048xf32>
    %broadcast_in_dim3A_35 = vector.shape_cast %reduce_sum3A_34 : vector<2048xf32> to vector<1x2048xf32>
    %swap3A_36 = arith.constant 1 : index
    %swap3A_37 = arith.constant 0 : index
    %swap3A_38 = vector.load %arg6[%swap3A_36, %swap3A_37] : memref<8x2048xf32, #tpu.memory_space<vmem>>, vector<1x2048xf32>
    tpu.vector_store %arg6[%swap3A_36, %swap3A_37], %broadcast_in_dim3A_35 {strides = array<i32>} : memref<8x2048xf32, #tpu.memory_space<vmem>>, vector<1x2048xf32>,
    %slice3A_39 = vector.extract_strided_slice %convert_element_type3A {offsets = [2, 0], sizes = [1, 784], strides = [1, 1]} : vector<8x784xi32> to vector<1x784xi32>
    %eq3A_40 = vector.broadcast %slice3A_39 : vector<1x784xi32> to vector<256x784xi32>
    %eq3A_41 = arith.cmpi eq, %iota3A, %eq3A_40 : vector<256x784xi32>
    %convert_element_type3A_42 = arith.extui %eq3A_41 : vector<256x784xi1> to vector<256x784xi32>
    %convert_element_type3A_43 = arith.sitofp %convert_element_type3A_42 : vector<256x784xi32> to vector<256x784xf32>
    %convert_element_type3A_44 = arith.truncf %convert_element_type3A_43 : vector<256x784xf32> to vector<256x784xbf16>
    %dot_general3A_45 = arith.constant dense<0.000000e+00> : vector<256x2048xf32>
    %dot_general3A_46 = tpu.matmul %convert_element_type3A_44, %get3A_11, %dot_general3A_45 {dimension_numbers = #tpu.dot_dimension_numbers<[1], [0], [0], [1], [0, 0, 1, 1], [], []>, transpose_lhs_hint = false} : vector<256x784xbf16>, vector<784x2048xbf16>, vector<256x2048xf32> -> vector<256x2048xf32>
    %mul3A_47 = arith.mulf %dot_general3A_46, %get3A_14 : vector<256x2048xf32>
    %reduce_sum3A_48 = arith.constant dense<0.000000e+00> : vector<2048xf32>
    %reduce_sum3A_49 = vector.multi_reduction <add>, %mul3A_47, %reduce_sum3A_48 [0] : vector<256x2048xf32> to vector<2048xf32>
    %broadcast_in_dim3A_50 = vector.shape_cast %reduce_sum3A_49 : vector<2048xf32> to vector<1x2048xf32>
    %swap3A_51 = arith.constant 2 : index
    %swap3A_52 = arith.constant 0 : index
    %swap3A_53 = vector.load %arg6[%swap3A_51, %swap3A_52] : memref<8x2048xf32, #tpu.memory_space<vmem>>, vector<1x2048xf32>
    tpu.vector_store %arg6[%swap3A_51, %swap3A_52], %broadcast_in_dim3A_50 {strides = array<i32>} : memref<8x2048xf32, #tpu.memory_space<vmem>>, vector<1x2048xf32>,
    %slice3A_54 = vector.extract_strided_slice %convert_element_type3A {offsets = [3, 0], sizes = [1, 784], strides = [1, 1]} : vector<8x784xi32> to vector<1x784xi32>
    %eq3A_55 = vector.broadcast %slice3A_54 : vector<1x784xi32> to vector<256x784xi32>
    %eq3A_56 = arith.cmpi eq, %iota3A, %eq3A_55 : vector<256x784xi32>
    %convert_element_type3A_57 = arith.extui %eq3A_56 : vector<256x784xi1> to vector<256x784xi32>
    %convert_element_type3A_58 = arith.sitofp %convert_element_type3A_57 : vector<256x784xi32> to vector<256x784xf32>
    %convert_element_type3A_59 = arith.truncf %convert_element_type3A_58 : vector<256x784xf32> to vector<256x784xbf16>
    %dot_general3A_60 = arith.constant dense<0.000000e+00> : vector<256x2048xf32>
    %dot_general3A_61 = tpu.matmul %convert_element_type3A_59, %get3A_11, %dot_general3A_60 {dimension_numbers = #tpu.dot_dimension_numbers<[1], [0], [0], [1], [0, 0, 1, 1], [], []>, transpose_lhs_hint = false} : vector<256x784xbf16>, vector<784x2048xbf16>, vector<256x2048xf32> -> vector<256x2048xf32>
    %mul3A_62 = arith.mulf %dot_general3A_61, %get3A_14 : vector<256x2048xf32>
    %reduce_sum3A_63 = arith.constant dense<0.000000e+00> : vector<2048xf32>
    %reduce_sum3A_64 = vector.multi_reduction <add>, %mul3A_62, %reduce_sum3A_63 [0] : vector<256x2048xf32> to vector<2048xf32>
    %broadcast_in_dim3A_65 = vector.shape_cast %reduce_sum3A_64 : vector<2048xf32> to vector<1x2048xf32>
    %swap3A_66 = arith.constant 3 : index
    %swap3A_67 = arith.constant 0 : index
    %swap3A_68 = vector.load %arg6[%swap3A_66, %swap3A_67] : memref<8x2048xf32, #tpu.memory_space<vmem>>, vector<1x2048xf32>
    tpu.vector_store %arg6[%swap3A_66, %swap3A_67], %broadcast_in_dim3A_65 {strides = array<i32>} : memref<8x2048xf32, #tpu.memory_space<vmem>>, vector<1x2048xf32>,
    %slice3A_69 = vector.extract_strided_slice %convert_element_type3A {offsets = [4, 0], sizes = [1, 784], strides = [1, 1]} : vector<8x784xi32> to vector<1x784xi32>
    %eq3A_70 = vector.broadcast %slice3A_69 : vector<1x784xi32> to vector<256x784xi32>
    %eq3A_71 = arith.cmpi eq, %iota3A, %eq3A_70 : vector<256x784xi32>
    %convert_element_type3A_72 = arith.extui %eq3A_71 : vector<256x784xi1> to vector<256x784xi32>
    %convert_element_type3A_73 = arith.sitofp %convert_element_type3A_72 : vector<256x784xi32> to vector<256x784xf32>
    %convert_element_type3A_74 = arith.truncf %convert_element_type3A_73 : vector<256x784xf32> to vector<256x784xbf16>
    %dot_general3A_75 = arith.constant dense<0.000000e+00> : vector<256x2048xf32>
    %dot_general3A_76 = tpu.matmul %convert_element_type3A_74, %get3A_11, %dot_general3A_75 {dimension_numbers = #tpu.dot_dimension_numbers<[1], [0], [0], [1], [0, 0, 1, 1], [], []>, transpose_lhs_hint = false} : vector<256x784xbf16>, vector<784x2048xbf16>, vector<256x2048xf32> -> vector<256x2048xf32>
    %mul3A_77 = arith.mulf %dot_general3A_76, %get3A_14 : vector<256x2048xf32>
    %reduce_sum3A_78 = arith.constant dense<0.000000e+00> : vector<2048xf32>
    %reduce_sum3A_79 = vector.multi_reduction <add>, %mul3A_77, %reduce_sum3A_78 [0] : vector<256x2048xf32> to vector<2048xf32>
    %broadcast_in_dim3A_80 = vector.shape_cast %reduce_sum3A_79 : vector<2048xf32> to vector<1x2048xf32>
    %swap3A_81 = arith.constant 4 : index
    %swap3A_82 = arith.constant 0 : index
    %swap3A_83 = vector.load %arg6[%swap3A_81, %swap3A_82] : memref<8x2048xf32, #tpu.memory_space<vmem>>, vector<1x2048xf32>
    tpu.vector_store %arg6[%swap3A_81, %swap3A_82], %broadcast_in_dim3A_80 {strides = array<i32>} : memref<8x2048xf32, #tpu.memory_space<vmem>>, vector<1x2048xf32>,
    %slice3A_84 = vector.extract_strided_slice %convert_element_type3A {offsets = [5, 0], sizes = [1, 784], strides = [1, 1]} : vector<8x784xi32> to vector<1x784xi32>
    %eq3A_85 = vector.broadcast %slice3A_84 : vector<1x784xi32> to vector<256x784xi32>
    %eq3A_86 = arith.cmpi eq, %iota3A, %eq3A_85 : vector<256x784xi32>
    %convert_element_type3A_87 = arith.extui %eq3A_86 : vector<256x784xi1> to vector<256x784xi32>
    %convert_element_type3A_88 = arith.sitofp %convert_element_type3A_87 : vector<256x784xi32> to vector<256x784xf32>
    %convert_element_type3A_89 = arith.truncf %convert_element_type3A_88 : vector<256x784xf32> to vector<256x784xbf16>
    %dot_general3A_90 = arith.constant dense<0.000000e+00> : vector<256x2048xf32>
    %dot_general3A_91 = tpu.matmul %convert_element_type3A_89, %get3A_11, %dot_general3A_90 {dimension_numbers = #tpu.dot_dimension_numbers<[1], [0], [0], [1], [0, 0, 1, 1], [], []>, transpose_lhs_hint = false} : vector<256x784xbf16>, vector<784x2048xbf16>, vector<256x2048xf32> -> vector<256x2048xf32>
    %mul3A_92 = arith.mulf %dot_general3A_91, %get3A_14 : vector<256x2048xf32>
    %reduce_sum3A_93 = arith.constant dense<0.000000e+00> : vector<2048xf32>
    %reduce_sum3A_94 = vector.multi_reduction <add>, %mul3A_92, %reduce_sum3A_93 [0] : vector<256x2048xf32> to vector<2048xf32>
    %broadcast_in_dim3A_95 = vector.shape_cast %reduce_sum3A_94 : vector<2048xf32> to vector<1x2048xf32>
    %swap3A_96 = arith.constant 5 : index
    %swap3A_97 = arith.constant 0 : index
    %swap3A_98 = vector.load %arg6[%swap3A_96, %swap3A_97] : memref<8x2048xf32, #tpu.memory_space<vmem>>, vector<1x2048xf32>
    tpu.vector_store %arg6[%swap3A_96, %swap3A_97], %broadcast_in_dim3A_95 {strides = array<i32>} : memref<8x2048xf32, #tpu.memory_space<vmem>>, vector<1x2048xf32>,
    %slice3A_99 = vector.extract_strided_slice %convert_element_type3A {offsets = [6, 0], sizes = [1, 784], strides = [1, 1]} : vector<8x784xi32> to vector<1x784xi32>
    %eq3A_100 = vector.broadcast %slice3A_99 : vector<1x784xi32> to vector<256x784xi32>
    %eq3A_101 = arith.cmpi eq, %iota3A, %eq3A_100 : vector<256x784xi32>
    %convert_element_type3A_102 = arith.extui %eq3A_101 : vector<256x784xi1> to vector<256x784xi32>
    %convert_element_type3A_103 = arith.sitofp %convert_element_type3A_102 : vector<256x784xi32> to vector<256x784xf32>
    %convert_element_type3A_104 = arith.truncf %convert_element_type3A_103 : vector<256x784xf32> to vector<256x784xbf16>
    %dot_general3A_105 = arith.constant dense<0.000000e+00> : vector<256x2048xf32>
    %dot_general3A_106 = tpu.matmul %convert_element_type3A_104, %get3A_11, %dot_general3A_105 {dimension_numbers = #tpu.dot_dimension_numbers<[1], [0], [0], [1], [0, 0, 1, 1], [], []>, transpose_lhs_hint = false} : vector<256x784xbf16>, vector<784x2048xbf16>, vector<256x2048xf32> -> vector<256x2048xf32>
    %mul3A_107 = arith.mulf %dot_general3A_106, %get3A_14 : vector<256x2048xf32>
    %reduce_sum3A_108 = arith.constant dense<0.000000e+00> : vector<2048xf32>
    %reduce_sum3A_109 = vector.multi_reduction <add>, %mul3A_107, %reduce_sum3A_108 [0] : vector<256x2048xf32> to vector<2048xf32>
    %broadcast_in_dim3A_110 = vector.shape_cast %reduce_sum3A_109 : vector<2048xf32> to vector<1x2048xf32>
    %swap3A_111 = arith.constant 6 : index
    %swap3A_112 = arith.constant 0 : index
    %swap3A_113 = vector.load %arg6[%swap3A_111, %swap3A_112] : memref<8x2048xf32, #tpu.memory_space<vmem>>, vector<1x2048xf32>
    tpu.vector_store %arg6[%swap3A_111, %swap3A_112], %broadcast_in_dim3A_110 {strides = array<i32>} : memref<8x2048xf32, #tpu.memory_space<vmem>>, vector<1x2048xf32>,
    %slice3A_114 = vector.extract_strided_slice %convert_element_type3A {offsets = [7, 0], sizes = [1, 784], strides = [1, 1]} : vector<8x784xi32> to vector<1x784xi32>
    %eq3A_115 = vector.broadcast %slice3A_114 : vector<1x784xi32> to vector<256x784xi32>
    %eq3A_116 = arith.cmpi eq, %iota3A, %eq3A_115 : vector<256x784xi32>
    %convert_element_type3A_117 = arith.extui %eq3A_116 : vector<256x784xi1> to vector<256x784xi32>
    %convert_element_type3A_118 = arith.sitofp %convert_element_type3A_117 : vector<256x784xi32> to vector<256x784xf32>
    %convert_element_type3A_119 = arith.truncf %convert_element_type3A_118 : vector<256x784xf32> to vector<256x784xbf16>
    %dot_general3A_120 = arith.constant dense<0.000000e+00> : vector<256x2048xf32>
    %dot_general3A_121 = tpu.matmul %convert_element_type3A_119, %get3A_11, %dot_general3A_120 {dimension_numbers = #tpu.dot_dimension_numbers<[1], [0], [0], [1], [0, 0, 1, 1], [], []>, transpose_lhs_hint = false} : vector<256x784xbf16>, vector<784x2048xbf16>, vector<256x2048xf32> -> vector<256x2048xf32>
    %mul3A_122 = arith.mulf %dot_general3A_121, %get3A_14 : vector<256x2048xf32>
    %reduce_sum3A_123 = arith.constant dense<0.000000e+00> : vector<2048xf32>
    %reduce_sum3A_124 = vector.multi_reduction <add>, %mul3A_122, %reduce_sum3A_123 [0] : vector<256x2048xf32> to vector<2048xf32>
    %broadcast_in_dim3A_125 = vector.shape_cast %reduce_sum3A_124 : vector<2048xf32> to vector<1x2048xf32>
    %swap3A_126 = arith.constant 7 : index
    %swap3A_127 = arith.constant 0 : index
    %swap3A_128 = vector.load %arg6[%swap3A_126, %swap3A_127] : memref<8x2048xf32, #tpu.memory_space<vmem>>, vector<1x2048xf32>
    tpu.vector_store %arg6[%swap3A_126, %swap3A_127], %broadcast_in_dim3A_125 {strides = array<i32>} : memref<8x2048xf32, #tpu.memory_space<vmem>>, vector<1x2048xf32>,
    %get3A_129 = arith.constant 0 : index
    %get3A_130 = arith.constant 0 : index
    %get3A_131 = vector.load %arg6[%get3A_129, %get3A_130] : memref<8x2048xf32, #tpu.memory_space<vmem>>, vector<8x2048xf32>
    %get3A_132 = arith.constant 0 : index
    %get3A_133 = arith.constant 0 : index
    %get3A_134 = vector.load %arg4[%get3A_132, %get3A_133] : memref<10x2048xf32, #tpu.memory_space<vmem>>, vector<10x2048xf32>
    %dot_general3A_135 = arith.constant dense<0.000000e+00> : vector<8x10xf32>
    %dot_general3A_136 = tpu.matmul %get3A_131, %get3A_134, %dot_general3A_135 {dimension_numbers = #tpu.dot_dimension_numbers<[1], [1], [0], [0], [0, 0, 1, 0], [], []>, transpose_lhs_hint = false} : vector<8x2048xf32>, vector<10x2048xf32>, vector<8x10xf32> -> vector<8x10xf32>
    %mul3A_137 = arith.mulf %get3A_131, %get3A_131 : vector<8x2048xf32>
    %reduce_sum3A_138 = arith.constant dense<0.000000e+00> : vector<8xf32>
    %reduce_sum3A_139 = vector.multi_reduction <add>, %mul3A_137, %reduce_sum3A_138 [1] : vector<8x2048xf32> to vector<8xf32>
    %broadcast_in_dim3A_140 = vector.shape_cast %reduce_sum3A_139 : vector<8xf32> to vector<8x1xf32>
    %sqrt3A = math.sqrt %broadcast_in_dim3A_140 : vector<8x1xf32>
    %add3A = arith.constant 9.99999996E-13 : f32
    %add3A_141 = vector.broadcast %add3A : f32 to vector<8x1xf32>
    %add3A_142 = arith.addf %sqrt3A, %add3A_141 : vector<8x1xf32>
    %mul3A_143 = arith.mulf %get3A_134, %get3A_134 : vector<10x2048xf32>
    %reduce_sum3A_144 = arith.constant dense<0.000000e+00> : vector<10xf32>
    %reduce_sum3A_145 = vector.multi_reduction <add>, %mul3A_143, %reduce_sum3A_144 [1] : vector<10x2048xf32> to vector<10xf32>
    %sqrt3A_146 = math.sqrt %reduce_sum3A_145 : vector<10xf32>
    %reshape3A = vector.shape_cast %sqrt3A_146 : vector<10xf32> to vector<1x10xf32>
    %add3A_147 = arith.constant 9.99999996E-13 : f32
    %add3A_148 = vector.broadcast %add3A_147 : f32 to vector<1x10xf32>
    %add3A_149 = arith.addf %reshape3A, %add3A_148 : vector<1x10xf32>
    %div3A = vector.broadcast %add3A_142 : vector<8x1xf32> to vector<8x10xf32>
    %div3A_150 = arith.divf %dot_general3A_136, %div3A : vector<8x10xf32>
    %div3A_151 = vector.broadcast %add3A_149 : vector<1x10xf32> to vector<8x10xf32>
    %div3A_152 = arith.divf %div3A_150, %div3A_151 : vector<8x10xf32>
    %swap3A_153 = arith.constant 0 : index
    %swap3A_154 = arith.constant 0 : index
    %swap3A_155 = arith.constant 0 : index
    %swap3A_156 = vector.load %arg5[%swap3A_153, %swap3A_154, %swap3A_155] : memref<1x8x10xf32, #tpu.memory_space<vmem>>, vector<1x8x10xf32>
    %swap3A_157 = vector.shape_cast %swap3A_156 : vector<1x8x10xf32> to vector<8x10xf32>
    %swap3A_158 = vector.shape_cast %div3A_152 : vector<8x10xf32> to vector<1x8x10xf32>
    tpu.vector_store %arg5[%swap3A_153, %swap3A_154, %swap3A_155], %swap3A_158 {strides = array<i32>} : memref<1x8x10xf32, #tpu.memory_space<vmem>>, vector<1x8x10xf32>,
    return
  }
  func.func @transform_0(%arg0: i32) -> (i32, i32, i32) {
    %c0_i32 = arith.constant 0 : i32
    %c0_i32_0 = arith.constant 0 : i32
    %c0_i32_1 = arith.constant 0 : i32
    return %arg0, %c0_i32, %c0_i32_0 : i32, i32, i32
  }
  func.func @transform_1(%arg0: i32) -> (i32, i32) {
    %c0_i32 = arith.constant 0 : i32
    %c0_i32_0 = arith.constant 0 : i32
    %c0_i32_1 = arith.constant 0 : i32
    return %c0_i32, %c0_i32_0 : i32, i32
  }
  func.func @transform_2(%arg0: i32) -> (i32, i32) {
    %c0_i32 = arith.constant 0 : i32
    %c0_i32_0 = arith.constant 0 : i32
    %c0_i32_1 = arith.constant 0 : i32
    return %c0_i32, %c0_i32_0 : i32, i32
  }
  func.func @transform_3(%arg0: i32) -> (i32, i32) {
    %c0_i32 = arith.constant 0 : i32
    %c0_i32_0 = arith.constant 0 : i32
    %c0_i32_1 = arith.constant 0 : i32
    return %c0_i32, %c0_i32_0 : i32, i32
  }
  func.func @transform_4(%arg0: i32) -> (i32, i32, i32) {
    %c0_i32 = arith.constant 0 : i32
    %c0_i32_0 = arith.constant 0 : i32
    %c0_i32_1 = arith.constant 0 : i32
    return %arg0, %c0_i32, %c0_i32_0 : i32, i32, i32
  }
}

module attributes {stable_mosaic.version = 14 : i64} {
  func.func @_am_body(%arg0: memref<16x2048xf32, #tpu.memory_space<vmem>>, %arg1: memref<10x2048xf32, #tpu.memory_space<vmem>>, %arg2: memref<16x10xf32, #tpu.memory_space<vmem>>) attributes {dimension_semantics = [], scalar_prefetch = 0 : i64, scratch_operands = 0 : i64, tpu.core_type = #tpu.core_type<tc>} {
    %get3A = arith.constant 0 : index
    %get3A_0 = arith.constant 0 : index
    %get3A_1 = vector.load %arg0[%get3A, %get3A_0] : memref<16x2048xf32, #tpu.memory_space<vmem>>, vector<16x2048xf32>
    %get3A_2 = arith.constant 0 : index
    %get3A_3 = arith.constant 0 : index
    %get3A_4 = vector.load %arg1[%get3A_2, %get3A_3] : memref<10x2048xf32, #tpu.memory_space<vmem>>, vector<10x2048xf32>
    %dot_general3A = arith.constant dense<0.000000e+00> : vector<16x10xf32>
    %dot_general3A_5 = tpu.matmul %get3A_1, %get3A_4, %dot_general3A {dimension_numbers = #tpu.dot_dimension_numbers<[1], [1], [0], [0], [0, 0, 1, 0], [], []>, transpose_lhs_hint = false} : vector<16x2048xf32>, vector<10x2048xf32>, vector<16x10xf32> -> vector<16x10xf32>
    %mul3A = arith.mulf %get3A_1, %get3A_1 : vector<16x2048xf32>
    %reduce_sum3A = arith.constant dense<0.000000e+00> : vector<16xf32>
    %reduce_sum3A_6 = vector.multi_reduction <add>, %mul3A, %reduce_sum3A [1] : vector<16x2048xf32> to vector<16xf32>
    %broadcast_in_dim3A = vector.shape_cast %reduce_sum3A_6 : vector<16xf32> to vector<16x1xf32>
    %sqrt3A = math.sqrt %broadcast_in_dim3A : vector<16x1xf32>
    %add3A = arith.constant 9.99999996E-13 : f32
    %add3A_7 = vector.broadcast %add3A : f32 to vector<16x1xf32>
    %add3A_8 = arith.addf %sqrt3A, %add3A_7 : vector<16x1xf32>
    %mul3A_9 = arith.mulf %get3A_4, %get3A_4 : vector<10x2048xf32>
    %reduce_sum3A_10 = arith.constant dense<0.000000e+00> : vector<10xf32>
    %reduce_sum3A_11 = vector.multi_reduction <add>, %mul3A_9, %reduce_sum3A_10 [1] : vector<10x2048xf32> to vector<10xf32>
    %sqrt3A_12 = math.sqrt %reduce_sum3A_11 : vector<10xf32>
    %reshape3A = vector.shape_cast %sqrt3A_12 : vector<10xf32> to vector<1x10xf32>
    %add3A_13 = arith.constant 9.99999996E-13 : f32
    %add3A_14 = vector.broadcast %add3A_13 : f32 to vector<1x10xf32>
    %add3A_15 = arith.addf %reshape3A, %add3A_14 : vector<1x10xf32>
    %div3A = vector.broadcast %add3A_8 : vector<16x1xf32> to vector<16x10xf32>
    %div3A_16 = arith.divf %dot_general3A_5, %div3A : vector<16x10xf32>
    %div3A_17 = vector.broadcast %add3A_15 : vector<1x10xf32> to vector<16x10xf32>
    %div3A_18 = arith.divf %div3A_16, %div3A_17 : vector<16x10xf32>
    %swap3A = arith.constant 0 : index
    %swap3A_19 = arith.constant 0 : index
    %swap3A_20 = vector.load %arg2[%swap3A, %swap3A_19] : memref<16x10xf32, #tpu.memory_space<vmem>>, vector<16x10xf32>
    tpu.vector_store %arg2[%swap3A, %swap3A_19], %div3A_18 {strides = array<i32>} : memref<16x10xf32, #tpu.memory_space<vmem>>, vector<16x10xf32>,
    return
  }
}

</mosaic_0001>

<sc_bundles>
// kernel: kernel.5.cloned.1.call-start
scs
__scs_entry_jumppad:
0x0: {  	(pc) =	sbr.rel $0x88, $3  }
0x1: {  	(tag) =	ssettag $0x0;
	lr =	simm.s32 $0x1  }
0x2: {  	[smem:$0x3F9D] =	sst lr;
	_ =	strace $0xD0000000  }
0x3: {  	_ = 	snop  }
0x4: {  	_ = 	snop  }
0x5: {  	_ = 	snop  }
0x6: {  	_ = 	snop  }
0x7: {  	_ = 	snop  }
__scs_overlays_trampoline_lowered:
0x8: {  	[smem:$0x3FAC] =	sst s0  }
0x9: {  	[smem:$0x3FAD] =	sst s1  }
0xa: {  	[smem:$0x3FAE] =	sst s2  }
0xb: {  	[smem:$0x3FAF] =	sst s3  }
0xc: {  	[smem:$0x3FB0] =	sst s4  }
0xd: {  	[smem:$0x3FB1] =	sst s5  }
0xe: {  	[smem:$0x3FB2] =	sst s6  }
0xf: {  	[smem:$0x3FB3] =	sst s7  }
0x10: {  	[smem:$0x3FB4] =	sst s8  }
0x11: {  	[smem:$0x3FB5] =	sst s9;
	s0 =	simm.s32 @!p0 $0x0  }
0x12: {  	s1 =	sld [smem:$0x3F9B];
	s0 =	simm.s32 @p0 $0x1  }
0x13: {  	[smem:$0x3FB6] =	sst s0;
	s0 =	simm.s32 @!p1 $0x0  }
0x14: {  	s2 =	sld [smem:$0x3F9A];
	s0 =	simm.s32 @p1 $0x1  }
0x15: {  	[smem:$0x3FB7] =	sst s0;
	s0 =	simm.s32 @!p2 $0x0  }
0x16: {  	s3 =	sld [smem:$0x3FDB];
	s0 =	simm.s32 @p2 $0x1  }
0x17: {  	s4 =	simm.s32 $0x1BF5;
	[smem:$0x3FB9] =	sst s0  }
0x18: {  	s0 =	sld [smem:$0x3F9C];
	_ =	swait.ge [sflag:s4], $0x0  }
0x19: {  	s7 =	sld [smem:$0x3F9D]  }
0x1a: {  	s8 =	sadd.s32 $0xFFFFE003, lr  }
0x1b: {  	s9 =	sadd.s32 $0xFFFFFEF7, lr;
	s5 =	simm.s32 $0xFFFFFFFF;
	p2 =	slt.u32 s8, $0xFFFFF086  }
0x1c: {  	p1 =	slt.u32 s9, $0xF7A;
	s5 =	simm.s32 @!p2 $0x0  }
0x1d: {  	s5 =	simm.s32 @p1 $0x1;
	p0 =	seq.s32 s7, s2  }
0x1e: {  	s7 =	smul.u32 @!p0 $0xF7A, s2;
	p2 =	seq.s32 @!p0 s5, $0x0  }
0x1f: {  	s9 =	smul.u32 $0xF7A, s1;
	s8 =	simm.s32 @!p0 $0x1BF5;
	p2 =	por !p2, p0  }
0x20: {  	[sflag:s8] =	ssyncset.s32 @!p0 $0xFFFFF086;
	s6 =	sadd.s32 @!p0 s3, s7;
	s7 =	simm.s32 @!p0 $0x108  }
0x21: {  	s3 =	sadd.s32 s3, s9;
	s6 =	sadd.s32 @!p0 $0x88, s6;
	s7 =	simm.s32 @p2 $0x1082  }
0x22: {  	[simem:s7], [sflag:s8] =	dma.local @!p0 [hbm:s6], $0xF7A  }
0x23: {  	s9 =	sor.u32 $0xD0000000, s2;
	s6 =	simm.s32 $0x108;
	_ =	swait.ge @!p0 [sflag:s8], $0x0  }
0x24: {  	s3 =	sadd.s32 $0x88, s3;
	s6 =	simm.s32 @!p1 $0x1082;
	[sflag:s4] =	ssyncset.s32 $0xFFFFF086  }
0x25: {  	[simem:s6], [sflag:s4] =	dma.local [hbm:s3], $0xF7A  }
0x26: {  	[smem:$0x3F9D] =	sst s1;
	(tag) =	ssettag s2;
	_ =	strace s9  }
0x27: {  	s1 =	sld [smem:$0x3FAD]  }
0x28: {  	s2 =	sld [smem:$0x3FAE]  }
0x29: {  	s4 =	sld [smem:$0x3FB0]  }
0x2a: {  	p0 =	seq.s32 s5, $0x0;
	s5 =	sld [smem:$0x3FB1]  }
0x2b: {  	s6 =	sld [smem:$0x3FB2]  }
0x2c: {  	s7 =	sld [smem:$0x3FB3]  }
0x2d: {  	s3 =	simm.s32 $0x108;
	s8 =	sld [smem:$0x3FB4]  }
0x2e: {  	s3 =	simm.s32 @!p0 $0x1082;
	s9 =	sld [smem:$0x3FB5]  }
0x2f: {  	lr =	sadd.s32 s0, s3;
	s0 =	sld [smem:$0x3FAC]  }
0x30: {  	s3 =	sld [smem:$0x3FAF]  }
0x31: {  	[smem:$0x3FB8] =	sst s10  }
0x32: {  	s10 =	sld [smem:$0x3FB6];
	_ =	sdelay $0x3  }
0x33: {  	p0 =	seq.s32 s10, $0x1;
	s10 =	sld [smem:$0x3FB8];
	_ =	sdelay $0x3  }
0x34: {  	[smem:$0x3FB8] =	sst s10  }
0x35: {  	s10 =	sld [smem:$0x3FB7];
	_ =	sdelay $0x3  }
0x36: {  	p1 =	seq.s32 s10, $0x1;
	s10 =	sld [smem:$0x3FB8];
	_ =	sdelay $0x3  }
0x37: {  	[smem:$0x3FB8] =	sst s10  }
0x38: {  	s10 =	sld [smem:$0x3FB9]  }
0x39: {  	_ = 	snop;
	(pc) =	sbr.ind lr, $3  }
0x3a: {  	_ = 	snop  }
0x3b: {  	_ = 	snop  }
0x3c: {  	p2 =	seq.s32 s10, $0x1;
	s10 =	sld [smem:$0x3FB8]  }
0x3d: {  	_ =	shalt  }
0x3e: {  	_ =	shalt  }
0x3f: {  	_ =	shalt  }
0x40: {  	_ =	shalt  }
0x41: {  	_ =	shalt  }
0x42: {  	_ =	shalt  }
0x43: {  	_ =	shalt  }
0x44: {  	_ =	shalt  }
0x45: {  	_ =	shalt  }
0x46: {  	_ =	shalt  }
0x47: {  	_ =	shalt  }
0x48: {  	_ =	shalt  }
0x49: {  	_ =	shalt  }
0x4a: {  	_ =	shalt  }
0x4b: {  	_ =	shalt  }
0x4c: {  	_ =	shalt  }
0x4d: {  	_ =	shalt  }
0x4e: {  	_ =	shalt  }
0x4f: {  	_ =	shalt  }
0x50: {  	_ =	shalt  }
0x51: {  	_ =	shalt  }
0x52: {  	_ =	shalt  }
0x53: {  	_ =	shalt  }
0x54: {  	_ =	shalt  }
0x55: {  	_ =	shalt  }
0x56: {  	_ =	shalt  }
0x57: {  	_ =	shalt  }
0x58: {  	_ =	shalt  }
0x59: {  	_ =	shalt  }
0x5a: {  	_ =	shalt  }
0x5b: {  	_ =	shalt  }
0x5c: {  	_ =	shalt  }
0x5d: {  	_ =	shalt  }
0x5e: {  	_ =	shalt  }
0x5f: {  	_ =	shalt  }
0x60: {  	_ =	shalt  }
0x61: {  	_ =	shalt  }
0x62: {  	_ =	shalt  }
0x63: {  	_ =	shalt  }
0x64: {  	_ =	shalt  }
0x65: {  	_ =	shalt  }
0x66: {  	_ =	shalt  }
0x67: {  	_ =	shalt  }
0x68: {  	_ =	shalt  }
0x69: {  	_ =	shalt  }
0x6a: {  	_ =	shalt  }
0x6b: {  	_ =	shalt  }
0x6c: {  	_ =	shalt  }
0x6d: {  	_ =	shalt  }
0x6e: {  	_ =	shalt  }
0x6f: {  	_ =	shalt  }
0x70: {  	_ =	shalt  }
0x71: {  	_ =	shalt  }
0x72: {  	_ =	shalt  }
0x73: {  	_ =	shalt  }
0x74: {  	_ =	shalt  }
0x75: {  	_ =	shalt  }
0x76: {  	_ =	shalt  }
0x77: {  	_ =	shalt  }
0x78: {  	_ =	shalt  }
0x79: {  	_ =	shalt  }
0x7a: {  	_ =	shalt  }
0x7b: {  	_ =	shalt  }
0x7c: {  	_ =	shalt  }
0x7d: {  	_ =	shalt  }
0x7e: {  	_ =	shalt  }
0x7f: {  	_ =	shalt  }
0x80: {  	_ =	shalt  }
0x81: {  	_ =	shalt  }
0x82: {  	_ =	shalt  }
0x83: {  	_ =	shalt  }
0x84: {  	_ =	shalt  }
0x85: {  	_ =	shalt  }
0x86: {  	_ =	shalt  }
0x87: {  	_ =	shalt  }
.Lfunc_end0:
.L_simem_size_0:
called_computation_lowered:
.L_overlay_start_0:
0x88: {  	s2 =	sld [smem:$0x3FD9]  }
0x89: {  	s3 =	sld [smem:$0x3FFE];
	_ =	sdelay $0x1  }
0x8a: {  	s1 =	srdreg.scid  }
0x8b: {  	s0 =	sand.u32 $0x1, s1  }
0x8c: {  	s16 =	sshll.u32 s0, $0xA;
	s2 =	sadd.s32 s3, s2  }
0x8d: {  	s2 =	sadd.s32 s2, s16  }
0x8e: {  	[smem:$0x3FC4] =	sst s2  }
0x8f: {  	_ = 	snop  }
0x90: {  	(tm) =	ssettm $0x1  }
0x91: {  	s17 =	sld [smem:$0x3FFB];
	_ =	sdelay $0x3  }
0x92: {  	_ =	strace s17  }
0x93: {  	s2 =	sld [smem:$0x3FFC];
	_ =	sdelay $0x3  }
0x94: {  	_ =	strace s2  }
0x95: {  	s2 =	sld [smem:$0x3FFD];
	_ =	sdelay $0x3  }
0x96: {  	_ =	strace s2  }
0x97: {  	_ =	strace $0x8FFFFFFF  }
0x98: {  	s18 =	sld [smem:$0x3FDB];
	_ =	sdelay $0x1  }
0x99: {  	s19 =	simm.s32 $_scs_section_size  }
0x9a: {  	s4 =	simm.s32 $_size__tile_overlayer_lowered;
	s5 =	simm.s32 $_tile_overlayer_lowered  }
0x9b: {  	s22 =	simm.s32 $0x1BFF;
	s21 =	sshll.u32 s5, $0x1;
	s2 =	sadd.s32 s19, s18  }
0x9c: {  	s6 =	simm.s32 $0x0;
	s20 =	sshll.u32 s4, $0x1;
	s4 =	sadd.s32 s21, s2  }
0x9d: {  	[timem:s6], [sflag:s22] =	dma.local [hbm:s4], s20  }
0x9e: {  	_ =	swait.ge [sflag:s22], s20  }
0x9f: {  	s3 =	ssub.s32 $0x0, s20;
	[sflag:s22] =	ssyncset.done $0x0  }
0xa0: {  	[sflag:s22] =	ssyncadd.s32 s3;
	_ =	sdelay $0x1  }
0xa1: {  	s23 =	simm.s32 $0x1B8B  }
0xa2: {  	_ =	swait.ge [sflag:s23], $0x1  }
0xa3: {  	[sflag:s23] =	ssyncset.done $0x0  }
0xa4: {  	s25 =	simm.s32 $0x1B8E;
	s24 =	sld [smem:$0x3FFE];
	[sflag:s23] =	ssyncadd.s32 $0xFFFFFFFF  }
0xa5: {  	s26 =	simm.s32 $execute0_lowered;
	[smem:$0x3FD2] =	sst s25  }
0xa6: {  	s4 =	sshll.u32 s26, $0x1;
	_ =	strace $0x80000046;
	[dreg:$0x1] =	wrdreg $0xFFFFFFFF  }
0xa7: {  	s28 =	simm.s32 $_size_execute0_lowered;
	s2 =	sadd.s32 s2, s4;
	[dreg:$0x0] =	wrdreg $0x0  }
0xa8: {  	s4 =	sshll.u32 s28, $0x1;
	[dreg:$0x2] =	wrdreg s2  }
0xa9: {  	[dreg:$0x3] =	wrdreg s4  }
0xaa: {  	[dreg:$0x4] =	wrdreg $0xC0  }
0xab: {  	_ =	task [dreg:s6], $0x5FFFF  }
0xac: {  	[dreg:$0x1] =	wrdreg $0xFFFFFFFF  }
0xad: {  	[dreg:$0x0] =	wrdreg $0x60  }
0xae: {  	[dreg:$0x2] =	wrdreg s24  }
0xaf: {  	[dreg:$0x3] =	wrdreg $0x9  }
0xb0: {  	_ =	task.clear_ibuf [dreg:s6], $0x4FFFF;
	_ =	strace $0x90000046  }
0xb1: {  	s29 =	simm.s32 $0x9;
	_ =	strace $0x80000048  }
0xb2: {  	_ =	swait.ge [sflag:s29], $0x1  }
0xb3: {  	[sflag:s29] =	ssyncadd.s32 $0xFFFFFFFF  }
0xb4: {  	_ =	strace $0x90000048  }
0xb5: {  	_ =	sfence  }
0xb6: {  	s30 =	sld [smem:$0x0];
	_ =	sdelay $0x2  }
0xb7: {  	s31 =	sshll.u32 s1, $0xD;
	s1 =	sshrl.u32 s1, $0x2  }
0xb8: {  	s3 =	sand.u32 $0x4000, s31;
	s1 =	sadd.s32 s1, s30  }
0xb9: {  	s0 =	sor.u32 s3, s0;
	s1 =	sshll.u32 s1, $0x11  }
0xba: {  	s0 =	sor.u32 s1, s0  }
0xbb: {  	s0 =	sadd.s32 $0x8F2B, s0  }
0xbc: {  	[sflag:s0] =	ssyncadd.remote.s32 $0x1  }
0xbd: {  	_ =	sfence.sel $0xFFFF  }
0xbe: {  	[dreg:$0x0] =	wrdreg $0xFFFFFFFF;
	(pc) =	sbr.abs _section_cstart, $3  }
0xbf: {  	[dreg:$0x1] =	wrdreg $0xFFFFFFFF  }
0xc0: {  	_ =	task.clear_ibuf [dreg:s6], $0x2FFFF;
	_ =	strace $0x9FFFFFFF  }
0xc1: {  	(tm) =	ssettm $0x7FFFFFFF  }
tec
execute0_lowered:
.L_overlay_start_1:
0x0: {  	(tag) =	ssettag $0x1  }
0x1: {  	s0 =	rddreg [dreg:$0x0];
	s3 =	srdreg.scid;
	s2 =	simm.s32 $0x0  }
0x2: {  	s1 =	stileid.u32;
	s8 =	simm.s32 $0x40;
	s9 =	simm.s32 $0x800  }
0x3: {  	s11 =	simm.s32 $0x1;
	s13 =	simm.s32 $0x13500;
	s3 =	sand.u32 $0x1, s3  }
0x4: {  	s14 =	simm.s32 $0x0;
	s4 =	sshll.u32 s1, $0x4;
	s5 =	sshll.u32 s3, $0x3  }
0x5: {  	[smem:$0x7FF] =	sst s2;
	s30 =	ssub.s32 $0x2, s3;
	s4 =	sor.u32 s5, s4  }
0x6: {  	s3 =	sadd.s32 $0x42200, s0;
	s31 =	sshrl.u32 s30, $0x1;
	s0 =	sadd.s32 s4, s0  }
0x7: {  	_ =	strace $0x80000047;
	s7 =	ssub.s32 s30, s31;
	s4 =	sadd.s32 $0x1200, s0  }
0x8: {  	s5 =	sadd.s32 $0x32200, s0;
	s6 =	sadd.s32 $0x42A00, s0;
	s7 =	smax.u32 s7, $0x1  }
.LBB2_1:
0x9: {  	s0 =	simm.s32 $0x3100  }
0xa: {  	[tilespmem:s0], [sflag:$0x1] =	stream.strided.gather [hbm4b:s4+s8], $0xC400, s9, s8, $0x38;
	[tilespmem:$0x13900] =	vst v63  }
0xb: {  	_ =	swait.ge [sflag:s11], $0xC400  }
0xc: {  	[sflag:s11] =	ssyncset.done $0x0  }
0xd: {  	s31 =	simm.s32 $0xF500;
	[sflag:s11] =	ssyncadd.s32 $0xFFFF3C00  }
0xe: {  	[tilespmem:s31], [sflag:$0x1] =	stream.strided.gather [hbm4b:s5+s8], $0x4000, s9, s8, $0x38;
	[tilespmem:$0x13900] =	vst v63  }
0xf: {  	_ =	swait.ge [sflag:s11], $0x4000  }
0x10: {  	[sflag:s11] =	ssyncset.done $0x0  }
0x11: {  	[sflag:s11] =	ssyncadd.s32 $0xFFFFC000  }
0x12: {  	[tilespmem:s2], [sflag:$0x1] =	stream.linear.gather [hbm4b:s3+s2], $0x3100, $0x38;
	[tilespmem:$0x13900] =	vst v63  }
0x13: {  	_ =	swait.ge [sflag:s11], $0x3100  }
0x14: {  	[sflag:s11] =	ssyncset.done $0x0  }
0x15: {  	s15 =	simm.s32 $0x0;
	s16 =	simm.s32 $0x0;
	[sflag:s11] =	ssyncadd.s32 $0xFFFFCF00  }
.LBB2_2:
0x16: {  	s17 =	simm.s32 $0x3300  }
0x17: {  	v0 =	vld [tilespmem:s17+$0x1E0];
	_ =	sdelay $0x4  }
0x18: {  	[tilespmem:$0x1FE30] =	vst v0;
	v0 =	vld [tilespmem:s17+$0x1F0];
	_ =	sdelay $0x4  }
0x19: {  	[tilespmem:$0x1FE40] =	vst v0;
	v0 =	vld [tilespmem:s17+$0x1A0];
	_ =	sdelay $0x4  }
0x1a: {  	[tilespmem:$0x1FE50] =	vst v0;
	v0 =	vld [tilespmem:s17+$0x1B0];
	_ =	sdelay $0x4  }
0x1b: {  	[tilespmem:$0x1FE60] =	vst v0;
	v0 =	vld [tilespmem:s17+$0x160];
	_ =	sdelay $0x4  }
0x1c: {  	[tilespmem:$0x1FE70] =	vst v0;
	v0 =	vld [tilespmem:s17+$0x170];
	_ =	sdelay $0x4  }
0x1d: {  	[tilespmem:$0x1FE80] =	vst v0;
	v0 =	vld [tilespmem:s17+$0x120];
	_ =	sdelay $0x4  }
0x1e: {  	[tilespmem:$0x1FE90] =	vst v0;
	v0 =	vld [tilespmem:s17+$0x130];
	_ =	sdelay $0x4  }
0x1f: {  	[tilespmem:$0x1FEA0] =	vst v0;
	v0 =	vld [tilespmem:s17+$0xE0];
	_ =	sdelay $0x4  }
0x20: {  	[tilespmem:$0x1FEB0] =	vst v0;
	v0 =	vld [tilespmem:s17+$0xF0];
	_ =	sdelay $0x4  }
0x21: {  	[tilespmem:$0x1FEC0] =	vst v0;
	v0 =	vld [tilespmem:s17+$0xA0];
	_ =	sdelay $0x4  }
0x22: {  	[tilespmem:$0x1FED0] =	vst v0;
	v0 =	vld [tilespmem:s17+$0xB0];
	_ =	sdelay $0x4  }
0x23: {  	[tilespmem:$0x1FEE0] =	vst v0;
	v0 =	vld [tilespmem:s17+$0x60];
	_ =	sdelay $0x4  }
0x24: {  	v1 =	vmov s15;
	[tilespmem:$0x1FEF0] =	vst v0;
	v0 =	vld [tilespmem:s17+$0x70];
	_ =	sdelay $0x3  }
0x25: {  	s0 =	simm.s32 $0x0  }
0x26: {  	[tilespmem:$0x1FF00] =	vst v0;
	v0 =	vld.idx.msk [tilespmem:v1+s0+$0x0 ss:$0x1], $0xffff  }
0x27: {  	[tilespmem:$0x1FF10] =	vst v1;
	v1 =	vld [tilespmem:s17+$0x20];
	_ =	sdelay $0x3  }
0x28: {  	v29 =	vld [tilespmem:s17+$0x1C0]  }
0x29: {  	[tilespmem:$0x1FF20] =	vst v1;
	v1 =	vld [tilespmem:s17+$0x30]  }
0x2a: {  	v30 =	vld [tilespmem:s17+$0x1D0]  }
0x2b: {  	v31 =	vld [tilespmem:s17+$0x180]  }
0x2c: {  	v32 =	vld [tilespmem:s17+$0x190]  }
0x2d: {  	v34 =	vld [tilespmem:s17+$0x140]  }
0x2e: {  	[tilespmem:$0x1FF30] =	vst v1;
	v1 =	vld [tilespmem:s17+$0xFFFFFFE0]  }
0x2f: {  	v36 =	vld [tilespmem:s17+$0x150]  }
0x30: {  	v37 =	vld [tilespmem:s17+$0x100]  }
0x31: {  	v38 =	vld [tilespmem:s17+$0x110]  }
0x32: {  	v39 =	vld [tilespmem:s17+$0xC0]  }
0x33: {  	[tilespmem:$0x1FF40] =	vst v1;
	v1 =	vld [tilespmem:s17+$0xFFFFFFF0]  }
0x34: {  	v40 =	vld [tilespmem:s17+$0xD0]  }
0x35: {  	v41 =	vld [tilespmem:s17+$0x80]  }
0x36: {  	v42 =	vld [tilespmem:s17+$0x90]  }
0x37: {  	v43 =	vld [tilespmem:s17+$0x40]  }
0x38: {  	[tilespmem:$0x1FF50] =	vst v1;
	v1 =	vld [tilespmem:s17+$0xFFFFFFA0]  }
0x39: {  	v44 =	vld [tilespmem:s17+$0x50]  }
0x3a: {  	v45 =	vld [tilespmem:s17+$0x0]  }
0x3b: {  	v46 =	vld [tilespmem:s17+$0x10]  }
0x3c: {  	v48 =	vld [tilespmem:s17+$0xFFFFFFC0]  }
0x3d: {  	[tilespmem:$0x1FF60] =	vst v1;
	v1 =	vld [tilespmem:s17+$0xFFFFFFB0]  }
0x3e: {  	v49 =	vld [tilespmem:s17+$0xFFFFFFD0]  }
0x3f: {  	v51 =	vld [tilespmem:s17+$0xFFFFFF80]  }
0x40: {  	v52 =	vld [tilespmem:s17+$0xFFFFFF90]  }
0x41: {  	v53 =	vld [tilespmem:s17+$0xFFFFFF40]  }
0x42: {  	[tilespmem:$0x1FF70] =	vst v1;
	v1 =	vld [tilespmem:s17+$0xFFFFFF60]  }
0x43: {  	v54 =	vld [tilespmem:s17+$0xFFFFFF50];
	v0 =	vmul.f32 $2.550000000e+02, v0  }
0x44: {  	v55 =	vld [tilespmem:s17+$0xFFFFFF00]  }
0x45: {  	v56 =	vld [tilespmem:s17+$0xFFFFFF10];
	v0 =	vmax.f32 v0, $0.0e+00  }
0x46: {  	v57 =	vld [tilespmem:s17+$0xFFFFFEC0];
	v0 =	vmin.f32 v0, $2.550000000e+02  }
0x47: {  	v0 =	vadd.f32 $8.388608000e+06, v0;
	[tilespmem:$0x1FF80] =	vst v1;
	v1 =	vld [tilespmem:s17+$0xFFFFFF70]  }
0x48: {  	v59 =	vld [tilespmem:s17+$0xFFFFFED0]  }
0x49: {  	v35 =	vld [tilespmem:s17+$0xFFFFFEE0];
	v0 =	vadd.f32 $-8.388608000e+06, v0  }
0x4a: {  	v33 =	vld [tilespmem:s17+$0xFFFFFEF0]  }
0x4b: {  	v61 =	vld [tilespmem:s17+$0xFFFFFE80];
	v0 =	vtrunc.f32 v0  }
0x4c: {  	v0 =	vcvt.f32.s32 v0;
	[tilespmem:$0x1FF90] =	vst v1;
	v1 =	vld [tilespmem:s17+$0xFFFFFF20]  }
0x4d: {  	v62 =	vld [tilespmem:s17+$0xFFFFFE90]  }
0x4e: {  	v50 =	vld [tilespmem:s17+$0xFFFFFEA0];
	v0 =	vshll.u32 v0, $0x8  }
0x4f: {  	v47 =	vld [tilespmem:s17+$0xFFFFFEB0];
	v2 =	vshra.s32 v0, $0x2  }
0x50: {  	v63 =	vld [tilespmem:s17+$0xFFFFFE40];
	(v2sf) =	vpush v2, $0xF  }
0x51: {  	v3 =	vimm.f32 $0.0e+00;
	(v2sf) =	vpush v2, $0xE;
	[tilespmem:$0x1FFA0] =	vst v1;
	v1 =	vld [tilespmem:s17+$0xFFFFFF30]  }
0x52: {  	v16 =	vld [tilespmem:s17+$0xFFFFFE50];
	[tilespmem:$0x1FFD0] =	vst v3;
	v3 =	vimm.f32 $0.0e+00;
	(v2sf) =	vpush v2, $0xD  }
0x53: {  	v60 =	vld [tilespmem:s17+$0xFFFFFE60];
	[tilespmem:$0x1FFE0] =	vst v3;
	v3 =	vimm.f32 $0.0e+00;
	(v2sf) =	vpush v2, $0xC  }
0x54: {  	v58 =	vld [tilespmem:s17+$0xFFFFFE70];
	[tilespmem:$0x1FFF0] =	vst v3;
	v0 =	vimm.f32 $0.0e+00;
	(v2sf) =	vpush v2, $0xB  }
0x55: {  	[tilespmem:$0x1FFC0] =	vst v0;
	v0 =	vld [tilespmem:s17+$0xFFFFFE00];
	(v2sf) =	vpush v2, $0xA  }
0x56: {  	s18 =	simm.s32 $0x40;
	(v2sf) =	vpush v2, $0x9;
	[tilespmem:$0x1FFB0] =	vst v1;
	v1 =	vld [tilespmem:s17+$0xFFFFFE10]  }
.LBB2_3:
0x57: {  	_ =	sdelay $0x6  }
0x58: {  	v4 =	vld [tilespmem:s17+$0xFFFFFE20];
	(v2sf) =	vpush v2, $0x8  }
0x59: {  	v5 =	vld [tilespmem:s17+$0xFFFFFE30];
	s19 =	spop (v2sf)  }
0x5a: {  	(v2sf) =	vpush v2, $0x7;
	v3 =	vld [tilespmem:s19+$0xF500]  }
0x5b: {  	v6 =	vld [tilespmem:s19+$0xF510];
	s20 =	spop (v2sf)  }
0x5c: {  	(v2sf) =	vpush v2, $0x6;
	v7 =	vld [tilespmem:s20+$0xF500]  }
0x5d: {  	v8 =	vld [tilespmem:s20+$0xF510];
	s21 =	spop (v2sf)  }
0x5e: {  	(v2sf) =	vpush v2, $0x5;
	v9 =	vld [tilespmem:s21+$0xF500]  }
0x5f: {  	v10 =	vld [tilespmem:s21+$0xF510];
	s22 =	spop (v2sf)  }
0x60: {  	(v2sf) =	vpush v2, $0x4;
	v11 =	vld [tilespmem:s22+$0xF500]  }
0x61: {  	v12 =	vld [tilespmem:s22+$0xF510];
	s23 =	spop (v2sf)  }
0x62: {  	v13 =	vld [tilespmem:s23+$0xF500]  }
0x63: {  	(v2sf) =	vpush v2, $0x3;
	v14 =	vld [tilespmem:s23+$0xF510];
	s24 =	spop (v2sf)  }
0x64: {  	v15 =	vld [tilespmem:s24+$0xF500]  }
0x65: {  	(v2sf) =	vpush v2, $0x2;
	v17 =	vld [tilespmem:s24+$0xF510];
	s25 =	spop (v2sf)  }
0x66: {  	v18 =	vld [tilespmem:s25+$0xF500]  }
0x67: {  	v19 =	vld [tilespmem:s25+$0xF510];
	s26 =	spop (v2sf)  }
0x68: {  	v20 =	vld [tilespmem:s26+$0xF500]  }
0x69: {  	(v2sf) =	vpush v2, $0x1;
	v21 =	vld [tilespmem:s26+$0xF510];
	s28 =	spop (v2sf)  }
0x6a: {  	v22 =	vld [tilespmem:s28+$0xF500]  }
0x6b: {  	v23 =	vld [tilespmem:s28+$0xF510];
	s29 =	spop (v2sf)  }
0x6c: {  	v24 =	vld [tilespmem:s29+$0xF500]  }
0x6d: {  	(v2sf) =	vpush v2, $0x0;
	v25 =	vld [tilespmem:s29+$0xF510];
	s30 =	spop (v2sf)  }
0x6e: {  	v26 =	vld [tilespmem:s30+$0xF500]  }
0x6f: {  	v27 =	vld [tilespmem:s30+$0xF510];
	s31 =	spop (v2sf)  }
0x70: {  	v2 =	vmul.f32 v29, v3;
	v28 =	vld [tilespmem:s31+$0xF500]  }
0x71: {  	v3 =	vmul.f32 v30, v6;
	v30 =	vmul.f32 v38, v12;
	v6 =	vld [tilespmem:s31+$0xF510]  }
0x72: {  	v38 =	vmul.f32 v40, v14;
	v14 =	vmul.f32 v46, v21;
	s0 =	spop (v2sf);
	v46 =	vld [tilespmem:s31+$0xF530]  }
0x73: {  	v31 =	vmul.f32 v31, v7;
	v7 =	vld [tilespmem:s0+$0xF500]  }
0x74: {  	v32 =	vmul.f32 v32, v8;
	v34 =	vmul.f32 v34, v9;
	v8 =	vld [tilespmem:s0+$0xF510];
	s1 =	spop (v2sf)  }
0x75: {  	v36 =	vmul.f32 v36, v10;
	v29 =	vmul.f32 v37, v11;
	v9 =	vld [tilespmem:s1+$0xF500]  }
0x76: {  	v37 =	vmul.f32 v39, v13;
	v39 =	vmul.f32 v41, v15;
	v10 =	vld [tilespmem:s1+$0xF510]  }
0x77: {  	v41 =	vmul.f32 v43, v18;
	v18 =	vmul.f32 v49, v23;
	v49 =	vld [tilespmem:s30+$0xF530]  }
0x78: {  	v40 =	vmul.f32 v42, v17;
	s10 =	spop (v2sf);
	v17 =	vmul.f32 v48, v22;
	v22 =	vld [tilespmem:s24+$0xF530]  }
0x79: {  	v11 =	vld [tilespmem:s10+$0xF500]  }
0x7a: {  	v42 =	vmul.f32 v44, v19;
	v44 =	vld [tilespmem:s10+$0xF510]  }
0x7b: {  	v21 =	vmul.f32 v52, v25;
	v25 =	vld [tilespmem:$0x1FFD0]  }
0x7c: {  	v13 =	vmul.f32 v45, v20;
	s12 =	spop (v2sf);
	v20 =	vmul.f32 v51, v24;
	v51 =	vld [tilespmem:$0x1FFA0]  }
0x7d: {  	v15 =	vld [tilespmem:s12+$0xF500]  }
0x7e: {  	v19 =	vld [tilespmem:s12+$0xF510]  }
0x7f: {  	v52 =	vld [tilespmem:s12+$0xF520]  }
0x80: {  	v24 =	vmul.f32 v54, v27;
	v54 =	vld [tilespmem:s12+$0xF530]  }
0x81: {  	v27 =	vld [tilespmem:s10+$0xF520]  }
0x82: {  	v23 =	vmul.f32 v53, v26;
	v53 =	vld [tilespmem:$0x1FFB0]  }
0x83: {  	v26 =	vld [tilespmem:s23+$0xF530]  }
0x84: {  	v55 =	vmul.f32 v55, v28;
	v28 =	vld [tilespmem:s10+$0xF530]  }
0x85: {  	v6 =	vmul.f32 v56, v6;
	v56 =	vld [tilespmem:s28+$0xF530]  }
0x86: {  	v7 =	vmul.f32 v57, v7;
	v57 =	vld [tilespmem:$0x1FF90]  }
0x87: {  	v8 =	vmul.f32 v59, v8;
	v59 =	vld [tilespmem:$0x1FF60]  }
0x88: {  	v9 =	vmul.f32 v61, v9;
	v61 =	vld [tilespmem:s25+$0xF520]  }
0x89: {  	v10 =	vmul.f32 v62, v10;
	v62 =	vld [tilespmem:$0x1FF40]  }
0x8a: {  	v12 =	vmul.f32 v16, v44;
	v16 =	vld [tilespmem:s1+$0xF520]  }
0x8b: {  	v11 =	vmul.f32 v63, v11;
	v63 =	vld [tilespmem:$0x1FFC0]  }
0x8c: {  	v44 =	vld [tilespmem:s0+$0xF530]  }
0x8d: {  	v0 =	vmul.f32 v0, v15;
	v15 =	vld [tilespmem:s1+$0xF530]  }
0x8e: {  	v1 =	vmul.f32 v1, v19;
	v19 =	vld [tilespmem:s0+$0xF520]  }
0x8f: {  	v43 =	vmul.f32 v60, v27;
	v27 =	vld [tilespmem:$0x1FFE0]  }
0x90: {  	v4 =	vmul.f32 v4, v52;
	v52 =	vld [tilespmem:s29+$0xF530]  }
0x91: {  	v5 =	vmul.f32 v5, v54;
	v54 =	vld [tilespmem:s28+$0xF520]  }
0x92: {  	v60 =	vld [tilespmem:$0x1FF70]  }
0x93: {  	v1 =	vadd.f32 v1, v25;
	v25 =	vld [tilespmem:$0x1FEF0]  }
0x94: {  	v0 =	vadd.f32 v0, v63;
	v45 =	vmul.f32 v50, v16;
	v16 =	vld [tilespmem:s30+$0xF520]  }
0x95: {  	v63 =	vld [tilespmem:s25+$0xF530]  }
0x96: {  	v4 =	vadd.f32 v4, v27;
	v27 =	vld [tilespmem:$0x1FFF0];
	v0 =	vadd.f32 v11, v0  }
0x97: {  	v1 =	vadd.f32 v12, v1;
	v50 =	vmul.f32 v33, v44;
	v33 =	vld [tilespmem:$0x1FF00]  }
0x98: {  	v44 =	vld [tilespmem:s22+$0xF530];
	v0 =	vadd.f32 v9, v0  }
0x99: {  	v48 =	vmul.f32 v35, v19;
	v35 =	vld [tilespmem:s22+$0xF520];
	v1 =	vadd.f32 v10, v1  }
0x9a: {  	v15 =	vmul.f32 v47, v15;
	v47 =	vld [tilespmem:$0x1FEB0];
	v0 =	vadd.f32 v7, v0  }
0x9b: {  	v1 =	vadd.f32 v8, v1;
	v5 =	vadd.f32 v5, v27;
	v27 =	vmul.f32 v58, v28;
	v28 =	vld [tilespmem:s31+$0xF520]  }
0x9c: {  	v4 =	vadd.f32 v43, v4;
	v43 =	vld [tilespmem:$0x1FED0];
	v0 =	vadd.f32 v55, v0  }
0x9d: {  	v1 =	vadd.f32 v6, v1;
	v5 =	vadd.f32 v27, v5;
	v55 =	vld [tilespmem:$0x1FF80]  }
0x9e: {  	v9 =	vmul.f32 v53, v46;
	v46 =	vld [tilespmem:s21+$0xF520];
	v4 =	vadd.f32 v45, v4;
	v0 =	vadd.f32 v23, v0  }
0x9f: {  	v1 =	vadd.f32 v24, v1;
	v5 =	vadd.f32 v15, v5;
	v15 =	vld [tilespmem:s29+$0xF520]  }
0xa0: {  	v53 =	vld [tilespmem:$0x1FEA0];
	v4 =	vadd.f32 v48, v4;
	v7 =	vmul.f32 v51, v28;
	v0 =	vadd.f32 v20, v0  }
0xa1: {  	v8 =	vmul.f32 v62, v54;
	v54 =	vld [tilespmem:s19+$0xF520];
	v1 =	vadd.f32 v21, v1  }
0xa2: {  	v62 =	vld [tilespmem:$0x1FE30];
	v6 =	vmul.f32 v55, v16;
	v4 =	vadd.f32 v7, v4;
	v0 =	vadd.f32 v17, v0  }
0xa3: {  	v45 =	vld [tilespmem:$0x1FEE0];
	v1 =	vadd.f32 v18, v1  }
0xa4: {  	v58 =	vld [tilespmem:s26+$0xF520];
	v10 =	vmul.f32 v59, v15;
	v4 =	vadd.f32 v6, v4;
	v0 =	vadd.f32 v13, v0  }
0xa5: {  	v21 =	vld [tilespmem:$0x1FF20];
	v5 =	vadd.f32 v50, v5;
	v1 =	vadd.f32 v14, v1  }
0xa6: {  	v4 =	vadd.f32 v10, v4;
	v10 =	vld [tilespmem:$0x1FF50];
	v0 =	vadd.f32 v41, v0  }
0xa7: {  	v23 =	vld [tilespmem:$0x1FF30];
	v7 =	vmul.f32 v57, v49;
	v5 =	vadd.f32 v9, v5  }
0xa8: {  	v15 =	vld [tilespmem:s26+$0xF530];
	v1 =	vadd.f32 v42, v1;
	v0 =	vadd.f32 v39, v0  }
0xa9: {  	v20 =	vld [tilespmem:s24+$0xF520];
	v6 =	vmul.f32 v60, v52;
	v5 =	vadd.f32 v7, v5  }
0xaa: {  	v48 =	vld [tilespmem:s21+$0xF530];
	v9 =	vmul.f32 v21, v58;
	v1 =	vadd.f32 v40, v1;
	v0 =	vadd.f32 v37, v0  }
0xab: {  	v24 =	vld [tilespmem:s23+$0xF520];
	v5 =	vadd.f32 v6, v5;
	v4 =	vadd.f32 v8, v4;
	v6 =	vmul.f32 v10, v56  }
0xac: {  	v51 =	vld [tilespmem:$0x1FE90];
	v7 =	vmul.f32 v25, v61;
	v1 =	vadd.f32 v38, v1;
	v0 =	vadd.f32 v29, v0  }
0xad: {  	v50 =	vld [tilespmem:s20+$0xF520];
	v4 =	vadd.f32 v9, v4;
	v5 =	vadd.f32 v6, v5;
	v6 =	vmul.f32 v23, v15  }
0xae: {  	v49 =	vld [tilespmem:$0x1FEC0];
	v10 =	vmul.f32 v43, v20;
	v1 =	vadd.f32 v30, v1;
	v0 =	vadd.f32 v34, v0  }
0xaf: {  	v55 =	vld [tilespmem:$0x1FE70];
	v4 =	vadd.f32 v7, v4;
	v5 =	vadd.f32 v6, v5;
	v6 =	vmul.f32 v33, v63  }
0xb0: {  	v57 =	vld [tilespmem:$0x1FE80];
	v8 =	vmul.f32 v47, v24;
	v1 =	vadd.f32 v36, v1;
	v0 =	vadd.f32 v31, v0  }
0xb1: {  	v58 =	vld [tilespmem:$0x1FE50];
	v4 =	vadd.f32 v10, v4;
	v5 =	vadd.f32 v6, v5;
	v6 =	vmul.f32 v45, v22  }
0xb2: {  	v52 =	vld [tilespmem:s20+$0xF530];
	v9 =	vmul.f32 v51, v35;
	v1 =	vadd.f32 v32, v1;
	v0 =	vadd.f32 v2, v0  }
0xb3: {  	v60 =	vld [tilespmem:$0x1FE60];
	v4 =	vadd.f32 v8, v4;
	v5 =	vadd.f32 v6, v5;
	v6 =	vmul.f32 v49, v26  }
0xb4: {  	v56 =	vld [tilespmem:s19+$0xF530];
	v7 =	vmul.f32 v55, v46;
	[tilespmem:$0x1FFC0] =	vst v0;
	v0 =	vadd.f32 v3, v1  }
0xb5: {  	s17 =	sadd.s32 $0x400, s17;
	v63 =	vld [tilespmem:$0x1FE40];
	v4 =	vadd.f32 v9, v4;
	v5 =	vadd.f32 v6, v5;
	v6 =	vmul.f32 v53, v44  }
0xb6: {  	v9 =	vmul.f32 v58, v50;
	[tilespmem:$0x1FFD0] =	vst v0;
	v0 =	vld [tilespmem:s17+$0x1A0]  }
0xb7: {  	v4 =	vadd.f32 v7, v4;
	v5 =	vadd.f32 v6, v5;
	v6 =	vmul.f32 v57, v48  }
0xb8: {  	v8 =	vmul.f32 v62, v54  }
0xb9: {  	v4 =	vadd.f32 v9, v4;
	v5 =	vadd.f32 v6, v5;
	v6 =	vmul.f32 v60, v52;
	_ =	sdelay $0x1  }
0xba: {  	v5 =	vadd.f32 v6, v5;
	v6 =	vmul.f32 v63, v56;
	[tilespmem:$0x1FE50] =	vst v0;
	v0 =	vadd.f32 v8, v4;
	_ =	sdelay $0x1  }
0xbb: {  	[tilespmem:$0x1FFE0] =	vst v0;
	v0 =	vadd.f32 v6, v5  }
0xbc: {  	v61 =	vld [tilespmem:s17+$0x1F0]  }
0xbd: {  	[tilespmem:$0x1FFF0] =	vst v0;
	v0 =	vld [tilespmem:s17+$0x1B0];
	_ =	sdelay $0x4  }
0xbe: {  	[tilespmem:$0x1FE60] =	vst v0;
	v0 =	vmov v61  }
0xbf: {  	[tilespmem:$0x1FE40] =	vst v0;
	v0 =	vld [tilespmem:s17+$0x160];
	_ =	sdelay $0x4  }
0xc0: {  	[tilespmem:$0x1FE70] =	vst v0;
	v0 =	vld [tilespmem:s17+$0x170];
	_ =	sdelay $0x4  }
0xc1: {  	[tilespmem:$0x1FE80] =	vst v0;
	v0 =	vld [tilespmem:s17+$0x120];
	_ =	sdelay $0x4  }
0xc2: {  	[tilespmem:$0x1FE90] =	vst v0;
	v0 =	vld [tilespmem:s17+$0x130];
	_ =	sdelay $0x4  }
0xc3: {  	[tilespmem:$0x1FEA0] =	vst v0;
	v0 =	vld [tilespmem:s17+$0xE0];
	_ =	sdelay $0x4  }
0xc4: {  	[tilespmem:$0x1FEB0] =	vst v0;
	v0 =	vld [tilespmem:s17+$0xF0];
	_ =	sdelay $0x2  }
0xc5: {  	v16 =	vld [tilespmem:s17+$0xFFFFFE50]  }
0xc6: {  	v59 =	vld [tilespmem:s17+$0x1E0]  }
0xc7: {  	[tilespmem:$0x1FEC0] =	vst v0;
	v0 =	vld [tilespmem:s17+$0xA0]  }
0xc8: {  	v42 =	vld [tilespmem:s17+$0x90]  }
0xc9: {  	v40 =	vld [tilespmem:s17+$0xD0]  }
0xca: {  	v41 =	vld [tilespmem:s17+$0x80]  }
0xcb: {  	v47 =	vld [tilespmem:s17+$0xFFFFFEB0]  }
0xcc: {  	v1 =	vmov v59;
	[tilespmem:$0x1FED0] =	vst v0;
	v0 =	vld [tilespmem:s17+$0xB0]  }
0xcd: {  	[tilespmem:$0x1FE30] =	vst v1;
	v1 =	vld [tilespmem:s17+$0x20]  }
0xce: {  	v38 =	vld [tilespmem:s17+$0x110]  }
0xcf: {  	v39 =	vld [tilespmem:s17+$0xC0]  }
0xd0: {  	v51 =	vld [tilespmem:s17+$0xFFFFFF80]  }
0xd1: {  	[tilespmem:$0x1FEE0] =	vst v0;
	v0 =	vld [tilespmem:s17+$0x60]  }
0xd2: {  	[tilespmem:$0x1FF20] =	vst v1;
	v1 =	vld [tilespmem:s17+$0x30]  }
0xd3: {  	v35 =	vld [tilespmem:s17+$0xFFFFFEE0]  }
0xd4: {  	v30 =	vld [tilespmem:s17+$0x1D0]  }
0xd5: {  	v37 =	vld [tilespmem:s17+$0x100]  }
0xd6: {  	[tilespmem:$0x1FEF0] =	vst v0;
	v0 =	vld [tilespmem:s17+$0x70]  }
0xd7: {  	[tilespmem:$0x1FF30] =	vst v1;
	v1 =	vld [tilespmem:s17+$0xFFFFFFE0]  }
0xd8: {  	v43 =	vld [tilespmem:s17+$0x40]  }
0xd9: {  	v46 =	vld [tilespmem:s17+$0x10]  }
0xda: {  	v55 =	vld [tilespmem:s17+$0xFFFFFF00]  }
0xdb: {  	[tilespmem:$0x1FF00] =	vst v0;
	v0 =	vld [tilespmem:$0x1FF10]  }
0xdc: {  	[tilespmem:$0x1FF40] =	vst v1;
	v1 =	vld [tilespmem:s17+$0xFFFFFFF0]  }
0xdd: {  	v29 =	vld [tilespmem:s17+$0x1C0]  }
0xde: {  	v36 =	vld [tilespmem:s17+$0x150]  }
0xdf: {  	v32 =	vld [tilespmem:s17+$0x190]  }
0xe0: {  	v34 =	vld [tilespmem:s17+$0x140]  }
0xe1: {  	[tilespmem:$0x1FF50] =	vst v1;
	v1 =	vld [tilespmem:s17+$0xFFFFFFA0]  }
0xe2: {  	s31 =	sshra.s32 s18, $0x2;
	v33 =	vld [tilespmem:s17+$0xFFFFFEF0]  }
0xe3: {  	v0 =	vld.idx.msk [tilespmem:v0+s31+$0x0 ss:$0x1], $0xffff  }
0xe4: {  	v54 =	vld [tilespmem:s17+$0xFFFFFF50]  }
0xe5: {  	v62 =	vld [tilespmem:s17+$0xFFFFFE90]  }
0xe6: {  	[tilespmem:$0x1FF60] =	vst v1;
	v1 =	vld [tilespmem:s17+$0xFFFFFFB0]  }
0xe7: {  	v31 =	vld [tilespmem:s17+$0x180]  }
0xe8: {  	v45 =	vld [tilespmem:s17+$0x0];
	v0 =	vmul.f32 $2.550000000e+02, v0  }
0xe9: {  	v50 =	vld [tilespmem:s17+$0xFFFFFEA0]  }
0xea: {  	v58 =	vld [tilespmem:s17+$0xFFFFFE70];
	v0 =	vmax.f32 v0, $0.0e+00  }
0xeb: {  	[tilespmem:$0x1FF70] =	vst v1;
	v1 =	vld [tilespmem:s17+$0xFFFFFF60];
	v0 =	vmin.f32 v0, $2.550000000e+02  }
0xec: {  	v49 =	vld [tilespmem:s17+$0xFFFFFFD0];
	v0 =	vadd.f32 $8.388608000e+06, v0  }
0xed: {  	v44 =	vld [tilespmem:s17+$0x50]  }
0xee: {  	v53 =	vld [tilespmem:s17+$0xFFFFFF40];
	v0 =	vadd.f32 $-8.388608000e+06, v0  }
0xef: {  	v59 =	vld [tilespmem:s17+$0xFFFFFED0]  }
0xf0: {  	[tilespmem:$0x1FF80] =	vst v1;
	v1 =	vld [tilespmem:s17+$0xFFFFFF70];
	v0 =	vtrunc.f32 v0  }
0xf1: {  	v48 =	vld [tilespmem:s17+$0xFFFFFFC0];
	v0 =	vcvt.f32.s32 v0  }
0xf2: {  	v57 =	vld [tilespmem:s17+$0xFFFFFEC0]  }
0xf3: {  	v52 =	vld [tilespmem:s17+$0xFFFFFF90];
	v0 =	vshll.u32 v0, $0x8  }
0xf4: {  	v60 =	vld [tilespmem:s17+$0xFFFFFE60];
	v2 =	vshra.s32 v0, $0x2  }
0xf5: {  	[tilespmem:$0x1FF90] =	vst v1;
	v1 =	vld [tilespmem:s17+$0xFFFFFF20];
	(v2sf) =	vpush v2, $0xF  }
0xf6: {  	p0 =	sne.s32 s18, $0xC00;
	v0 =	vld [tilespmem:s17+$0xFFFFFF30];
	(v2sf) =	vpush v2, $0xE  }
.Ltmp0:
0xf7: {  	v56 =	vld [tilespmem:s17+$0xFFFFFF10];
	(v2sf) =	vpush v2, $0xD;
	(pc) =	sbr.rel @p0 .LBB2_3-.Ltmp0, $4  }
0xf8: {  	v63 =	vld [tilespmem:s17+$0xFFFFFE40];
	(v2sf) =	vpush v2, $0xC  }
0xf9: {  	v61 =	vld [tilespmem:s17+$0xFFFFFE80];
	(v2sf) =	vpush v2, $0xB  }
0xfa: {  	[tilespmem:$0x1FFA0] =	vst v1;
	v1 =	vld [tilespmem:s17+$0xFFFFFE10];
	(v2sf) =	vpush v2, $0xA  }
0xfb: {  	s18 =	sadd.s32 $0x40, s18;
	[tilespmem:$0x1FFB0] =	vst v0;
	v0 =	vld [tilespmem:s17+$0xFFFFFE00];
	(v2sf) =	vpush v2, $0x9  }
0xfc: {  	_ =	sdelay $0x6  }
0xfd: {  	(v2sf) =	vpush v2, $0x8;
	v5 =	vld [tilespmem:s17+$0xFFFFFE20]  }
0xfe: {  	v6 =	vld [tilespmem:s17+$0xFFFFFE30];
	s18 =	spop (v2sf)  }
0xff: {  	v3 =	vld [tilespmem:s18+$0xF500]  }
0x100: {  	s30 =	spop (v2sf);
	v4 =	vld [tilespmem:s18+$0xF510]  }
0x101: {  	v7 =	vld [tilespmem:s30+$0xF500]  }
0x102: {  	s19 =	spop (v2sf);
	v8 =	vld [tilespmem:s30+$0xF510]  }
0x103: {  	v9 =	vld [tilespmem:s19+$0xF500]  }
0x104: {  	s20 =	spop (v2sf);
	v10 =	vld [tilespmem:s19+$0xF510]  }
0x105: {  	(v2sf) =	vpush v2, $0x7;
	v11 =	vld [tilespmem:s20+$0xF500]  }
0x106: {  	s21 =	spop (v2sf);
	v12 =	vld [tilespmem:s20+$0xF510]  }
0x107: {  	(v2sf) =	vpush v2, $0x6;
	v13 =	vld [tilespmem:s21+$0xF500]  }
0x108: {  	s22 =	spop (v2sf);
	v14 =	vld [tilespmem:s21+$0xF510]  }
0x109: {  	(v2sf) =	vpush v2, $0x5;
	v15 =	vld [tilespmem:s22+$0xF500]  }
0x10a: {  	(v2sf) =	vpush v2, $0x4;
	s23 =	spop (v2sf);
	v17 =	vld [tilespmem:s22+$0xF510]  }
0x10b: {  	(v2sf) =	vpush v2, $0x3;
	v18 =	vld [tilespmem:s23+$0xF500]  }
0x10c: {  	(v2sf) =	vpush v2, $0x2;
	s24 =	spop (v2sf);
	v19 =	vld [tilespmem:s23+$0xF510]  }
0x10d: {  	(v2sf) =	vpush v2, $0x1;
	v20 =	vld [tilespmem:s24+$0xF500]  }
0x10e: {  	(v2sf) =	vpush v2, $0x0;
	v2 =	vmul.f32 v30, v4;
	v21 =	vld [tilespmem:s24+$0xF510]  }
0x10f: {  	v30 =	vmul.f32 v31, v7;
	v31 =	vmul.f32 v36, v10;
	v36 =	vld [tilespmem:$0x1FF30]  }
0x110: {  	v10 =	vmul.f32 v39, v13;
	v39 =	vld [tilespmem:s21+$0xF530]  }
0x111: {  	v4 =	vmul.f32 v37, v11;
	v11 =	vmul.f32 v40, v14;
	v40 =	vld [tilespmem:$0x1FF00]  }
0x112: {  	v13 =	vmul.f32 v41, v15;
	v41 =	vld [tilespmem:s20+$0xF520]  }
0x113: {  	v14 =	vmul.f32 v42, v17;
	v42 =	vld [tilespmem:$0x1FED0]  }
0x114: {  	v17 =	vmul.f32 v43, v18;
	v43 =	vld [tilespmem:s20+$0xF530];
	s25 =	spop (v2sf)  }
0x115: {  	v22 =	vld [tilespmem:s25+$0xF500]  }
0x116: {  	s26 =	spop (v2sf);
	v23 =	vld [tilespmem:s25+$0xF510]  }
0x117: {  	v24 =	vld [tilespmem:s26+$0xF500]  }
0x118: {  	s28 =	spop (v2sf);
	v25 =	vld [tilespmem:s26+$0xF510]  }
0x119: {  	v26 =	vld [tilespmem:s28+$0xF500]  }
0x11a: {  	s29 =	spop (v2sf);
	v27 =	vld [tilespmem:s28+$0xF510]  }
0x11b: {  	v28 =	vld [tilespmem:s29+$0xF500]  }
0x11c: {  	s0 =	spop (v2sf);
	v7 =	vld [tilespmem:s29+$0xF510]  }
0x11d: {  	v3 =	vmul.f32 v29, v3;
	v29 =	vmul.f32 v32, v8;
	v8 =	vld [tilespmem:s0+$0xF500]  }
0x11e: {  	v32 =	vmul.f32 v34, v9;
	s1 =	spop (v2sf);
	v9 =	vld [tilespmem:s0+$0xF510]  }
0x11f: {  	v34 =	vmul.f32 v38, v12;
	v12 =	vld [tilespmem:s1+$0xF500]  }
0x120: {  	s10 =	spop (v2sf);
	v15 =	vld [tilespmem:s1+$0xF510]  }
0x121: {  	v18 =	vmul.f32 v44, v19;
	v44 =	vld [tilespmem:s10+$0xF500]  }
0x122: {  	v20 =	vmul.f32 v45, v20;
	v45 =	vld [tilespmem:s10+$0xF510]  }
0x123: {  	s12 =	spop (v2sf);
	v25 =	vmul.f32 v52, v25;
	v52 =	vld [tilespmem:s10+$0xF520]  }
0x124: {  	v21 =	vmul.f32 v46, v21;
	v46 =	vld [tilespmem:s12+$0xF500]  }
0x125: {  	v22 =	vmul.f32 v48, v22;
	v48 =	vld [tilespmem:s12+$0xF510]  }
0x126: {  	v23 =	vmul.f32 v49, v23;
	v49 =	vld [tilespmem:s12+$0xF520]  }
0x127: {  	v24 =	vmul.f32 v51, v24;
	v51 =	vld [tilespmem:s12+$0xF530]  }
0x128: {  	v26 =	vmul.f32 v53, v26;
	v53 =	vld [tilespmem:s10+$0xF530]  }
0x129: {  	v27 =	vmul.f32 v54, v27;
	v54 =	vld [tilespmem:s1+$0xF520]  }
0x12a: {  	v28 =	vmul.f32 v55, v28;
	v55 =	vld [tilespmem:$0x1FFC0]  }
0x12b: {  	v7 =	vmul.f32 v56, v7;
	v56 =	vld [tilespmem:s1+$0xF530]  }
0x12c: {  	v8 =	vmul.f32 v57, v8;
	v57 =	vld [tilespmem:$0x1FFD0]  }
0x12d: {  	v9 =	vmul.f32 v59, v9;
	v59 =	vld [tilespmem:s0+$0xF520]  }
0x12e: {  	v15 =	vmul.f32 v62, v15;
	v62 =	vld [tilespmem:$0x1FFE0]  }
0x12f: {  	v19 =	vmul.f32 v63, v44;
	v63 =	vld [tilespmem:s0+$0xF530]  }
0x130: {  	v44 =	vld [tilespmem:$0x1FFF0]  }
0x131: {  	v16 =	vmul.f32 v16, v45;
	v45 =	vld [tilespmem:s29+$0xF520]  }
0x132: {  	v12 =	vmul.f32 v61, v12;
	v61 =	vmul.f32 v60, v52;
	v52 =	vld [tilespmem:s26+$0xF530]  }
0x133: {  	v60 =	vld [tilespmem:s24+$0xF530]  }
0x134: {  	v0 =	vmul.f32 v0, v46;
	v46 =	vld [tilespmem:s29+$0xF530]  }
0x135: {  	v1 =	vmul.f32 v1, v48;
	v48 =	vld [tilespmem:s28+$0xF520]  }
0x136: {  	v5 =	vmul.f32 v5, v49;
	v49 =	vld [tilespmem:s28+$0xF530]  }
0x137: {  	v38 =	vmul.f32 v50, v54;
	v50 =	vld [tilespmem:s26+$0xF520]  }
0x138: {  	v6 =	vmul.f32 v6, v51;
	v51 =	vld [tilespmem:$0x1FFA0]  }
0x139: {  	v37 =	vmul.f32 v58, v53;
	v53 =	vld [tilespmem:$0x1FFB0]  }
0x13a: {  	v54 =	vld [tilespmem:s25+$0xF520]  }
0x13b: {  	v58 =	vld [tilespmem:s24+$0xF520]  }
0x13c: {  	v47 =	vmul.f32 v47, v56;
	v56 =	vld [tilespmem:s25+$0xF530]  }
0x13d: {  	v0 =	vadd.f32 v0, v55;
	v55 =	vld [tilespmem:$0x1FF80]  }
0x13e: {  	v1 =	vadd.f32 v1, v57;
	v57 =	vld [tilespmem:$0x1FF90]  }
0x13f: {  	v35 =	vmul.f32 v35, v59;
	v59 =	vld [tilespmem:$0x1FF60]  }
0x140: {  	v5 =	vadd.f32 v5, v62;
	v62 =	vld [tilespmem:s23+$0xF520]  }
0x141: {  	v0 =	vadd.f32 v19, v0;
	v19 =	vmul.f32 v33, v63;
	v63 =	vld [tilespmem:$0x1FF40]  }
0x142: {  	v1 =	vadd.f32 v16, v1;
	v33 =	vld [tilespmem:$0x1FF20]  }
0x143: {  	v6 =	vadd.f32 v6, v44;
	v44 =	vld [tilespmem:$0x1FEE0];
	v5 =	vadd.f32 v61, v5  }
0x144: {  	v61 =	vld [tilespmem:$0x1FF70];
	v0 =	vadd.f32 v12, v0;
	v1 =	vadd.f32 v15, v1  }
0x145: {  	v16 =	vmul.f32 v51, v45;
	v45 =	vld [tilespmem:s19+$0xF520];
	v6 =	vadd.f32 v37, v6;
	v5 =	vadd.f32 v38, v5  }
0x146: {  	v51 =	vld [tilespmem:s30+$0xF530];
	v0 =	vadd.f32 v8, v0;
	v1 =	vadd.f32 v9, v1  }
0x147: {  	v37 =	vld [tilespmem:s21+$0xF520];
	v6 =	vadd.f32 v47, v6;
	v5 =	vadd.f32 v35, v5  }
0x148: {  	v12 =	vmul.f32 v53, v46;
	v46 =	vld [tilespmem:$0x1FEB0];
	v0 =	vadd.f32 v28, v0;
	v1 =	vadd.f32 v7, v1  }
0x149: {  	v53 =	vld [tilespmem:s18+$0xF520];
	v6 =	vadd.f32 v19, v6;
	v5 =	vadd.f32 v16, v5  }
0x14a: {  	v15 =	vmul.f32 v55, v48;
	v0 =	vadd.f32 v26, v0;
	v1 =	vadd.f32 v27, v1;
	v27 =	vld [tilespmem:$0x1FF50]  }
0x14b: {  	v38 =	vld [tilespmem:$0x1FEF0];
	v8 =	vmul.f32 v57, v49;
	v6 =	vadd.f32 v12, v6  }
0x14c: {  	v48 =	vld [tilespmem:$0x1FEC0];
	v9 =	vmul.f32 v59, v50;
	v5 =	vadd.f32 v15, v5;
	v0 =	vadd.f32 v24, v0  }
0x14d: {  	v55 =	vld [tilespmem:s18+$0xF530];
	v6 =	vadd.f32 v8, v6;
	v8 =	vmul.f32 v61, v52;
	v1 =	vadd.f32 v25, v1  }
0x14e: {  	v7 =	vmul.f32 v63, v54;
	v26 =	vld [tilespmem:s23+$0xF530];
	v5 =	vadd.f32 v9, v5;
	v0 =	vadd.f32 v22, v0  }
0x14f: {  	v28 =	vld [tilespmem:s22+$0xF520];
	v6 =	vadd.f32 v8, v6;
	v1 =	vadd.f32 v23, v1;
	v8 =	vmul.f32 v27, v56  }
0x150: {  	v35 =	vld [tilespmem:s22+$0xF530];
	v12 =	vmul.f32 v33, v58;
	v5 =	vadd.f32 v7, v5;
	v0 =	vadd.f32 v20, v0  }
0x151: {  	v47 =	vld [tilespmem:s19+$0xF530];
	v1 =	vadd.f32 v21, v1;
	v6 =	vadd.f32 v8, v6;
	v8 =	vmul.f32 v36, v60  }
0x152: {  	v49 =	vld [tilespmem:s30+$0xF520];
	v19 =	vmul.f32 v38, v62;
	v5 =	vadd.f32 v12, v5;
	v0 =	vadd.f32 v17, v0  }
0x153: {  	v50 =	vld [tilespmem:$0x1FE90];
	v1 =	vadd.f32 v18, v1;
	v6 =	vadd.f32 v8, v6;
	v8 =	vmul.f32 v40, v26  }
0x154: {  	v52 =	vld [tilespmem:$0x1FEA0];
	v16 =	vmul.f32 v42, v28;
	v5 =	vadd.f32 v19, v5;
	v0 =	vadd.f32 v13, v0  }
0x155: {  	v54 =	vld [tilespmem:$0x1FE70];
	v7 =	vmul.f32 v44, v35;
	v1 =	vadd.f32 v14, v1;
	v6 =	vadd.f32 v8, v6  }
0x156: {  	v56 =	vld [tilespmem:$0x1FE80];
	v14 =	vmul.f32 v46, v37;
	v5 =	vadd.f32 v16, v5;
	v0 =	vadd.f32 v10, v0  }
0x157: {  	v57 =	vld [tilespmem:$0x1FE50];
	v1 =	vadd.f32 v11, v1;
	v6 =	vadd.f32 v7, v6;
	v7 =	vmul.f32 v48, v39  }
0x158: {  	v58 =	vld [tilespmem:$0x1FE60];
	v9 =	vmul.f32 v50, v41;
	v5 =	vadd.f32 v14, v5;
	v0 =	vadd.f32 v4, v0  }
0x159: {  	v59 =	vld [tilespmem:$0x1FE30];
	v1 =	vadd.f32 v34, v1;
	v6 =	vadd.f32 v7, v6;
	v7 =	vmul.f32 v52, v43  }
0x15a: {  	v61 =	vld [tilespmem:$0x1FE40];
	v8 =	vmul.f32 v54, v45;
	v5 =	vadd.f32 v9, v5;
	v0 =	vadd.f32 v32, v0  }
0x15b: {  	v1 =	vadd.f32 v31, v1;
	v6 =	vadd.f32 v7, v6;
	v7 =	vmul.f32 v56, v47  }
0x15c: {  	v10 =	vmul.f32 v57, v49;
	v5 =	vadd.f32 v8, v5;
	v0 =	vadd.f32 v30, v0  }
0x15d: {  	s31 =	sshll.u32 s16, $0x6;
	s16 =	sadd.s32 $0x1, s16;
	v4 =	vmul.f32 v58, v51;
	v1 =	vadd.f32 v29, v1;
	v6 =	vadd.f32 v7, v6  }
0x15e: {  	p0 =	sne.s32 s16, $0x10;
	v7 =	vmul.f32 v59, v53;
	v5 =	vadd.f32 v10, v5;
	v0 =	vadd.f32 v3, v0  }
.Ltmp1:
0x15f: {  	s0 =	sand.u32 $0x3FFFFFC0, s31;
	v1 =	vadd.f32 v2, v1;
	v60 =	vadd.f32 v4, v6;
	v4 =	vmul.f32 v61, v55;
	(pc) =	sbr.rel @p0 .LBB2_2-.Ltmp1, $4  }
0x160: {  	v62 =	vadd.f32 v7, v5;
	[tilespmem:s0+$0x13500] =	vst v0  }
0x161: {  	[tilespmem:s0+$0x13510] =	vst v1;
	v63 =	vadd.f32 v4, v60  }
0x162: {  	[tilespmem:s0+$0x13520] =	vst v62  }
0x163: {  	s15 =	sadd.s32 $0x310, s15;
	[tilespmem:s0+$0x13530] =	vst v63  }
0x164: {  	s14 =	sadd.s32 $0x1, s14  }
0x165: {  	p0 =	sne.s32 s14, s7  }
.Ltmp2:
0x166: {  	_ = 	snop;
	(pc) =	sbr.rel @p0 .LBB2_1-.Ltmp2, $4  }
0x167: {  	[hbm4b:s6+s8] =	stream.strided.scatter [tilespmem:s13], [sflag:$0x1], $0x400, s9, s8, $0x38;
	[tilespmem:$0x13900] =	vst v63  }
0x168: {  	_ =	swait.ge [sflag:s11], $0x400  }
0x169: {  	[sflag:s11] =	ssyncset.done $0x0  }
0x16a: {  	[sflag:s11] =	ssyncadd.s32 $0xFFFFFC00  }
0x16b: {  	_ =	sfence.sel $0x180000  }
0x16c: {  	[bflag:$0x0] =	sbarrier.arrive $0xFFFF  }
0x16d: {  	_ =	strace $0x90000047  }
0x16e: {  	s0 =	stileid.u32;
	[bflag:$0x2] =	sbarrier.arrive $0xFFFF  }
0x16f: {  	p0 =	sne.s32 s0, $0x0;
	s0 =	rddreg [dreg:$0x1]  }
0x170: {  	s0 =	sadd.s32 @!p0 $0x100000, s0  }
0x171: {  	[sflag:s0] =	ssyncadd.tile.s32 @!p0 $0x1;
	_ =	shalt  }
.Lfunc_end2:
_tile_overlayer_lowered:
.L_overlay_start_2:
0x172: {  	(tag) =	ssettag $0x2  }
0x173: {  	s0 =	rddreg [dreg:$0x0];
	s2 =	stileid.u32  }
0x174: {  	s1 =	rddreg [dreg:$0x1];
	p0 =	sne.s32 s2, $0x0  }
0x175: {  	s3 =	rddreg [dreg:$0x2];
	[bflag:$0x3] =	sbarrier.arrive $0xFFFF;
	s2 =	simm.s32 @!p0 $0x1C01  }
0x176: {  	[timem:s3], [sflag:s2] =	dma.local @!p0 [hbm:s0], s1  }
0x177: {  	s0 =	simm.s32 @!p0 $0x1  }
0x178: {  	_ =	swait.ge @!p0 [sflag:s0], s1  }
0x179: {  	s1 =	ssub.s32 @!p0 $0x0, s1;
	[sflag:s0] =	ssyncset.done @!p0 $0x0  }
0x17a: {  	[sflag:s0] =	ssyncadd.s32 @!p0 s1  }
0x17b: {  	[bflag:$0x3] =	sbarrier.arrive $0xFFFF  }
0x17c: {  	_ =	shalt  }

</sc_bundles>
